<compile_context>
chip_gen: v7x
topology: tpu7x:2x2x1
jax: 0.10.2.dev20260603
libtpu: 0.0.44.dev20260713+nightly
codegen_flags: <defaults>
</compile_context>

<pallas_src>
import functools

import jax
import jax.numpy as jnp
from jax import lax
from jax.experimental import pallas as pl
from jax.experimental.pallas import tpu as pltpu
from jax.experimental.pallas import tpu_sc as plsc

_NUM_CORES = 2
_NUM_SUBCORES = 16
_LANES = 16
_NUM_WORKERS = _NUM_CORES * _NUM_SUBCORES


def _floor_div(x, den, rcp_den):
    q = (x.astype(jnp.float32) * rcp_den).astype(jnp.int32)
    prod = q * den
    q = jnp.where(prod > x, q - 1, q)
    q = jnp.where(x - q * den >= den, q + 1, q)
    return q


def _make_sc_gather(n_rows, g0, g1, d):
    b_per_w = n_rows // _NUM_WORKERS
    n_chunks = b_per_w // _LANES
    mesh = plsc.VectorSubcoreMesh(core_axis_name="c", subcore_axis_name="s")

    @functools.partial(
        pl.kernel,
        mesh=mesh,
        out_type=jax.ShapeDtypeStruct((n_rows, d), jnp.float32),
        scratch_types=[
            pltpu.VMEM((4 * _LANES,), jnp.float32),
            pltpu.VMEM((b_per_w, d), jnp.float32),
        ]
        + [pltpu.SemaphoreType.DMA] * (n_chunks + 1),
    )
    def gather_kernel(table_hbm, params_hbm, out_hbm,
                      params_v, rows_v, *sems):
        gsems = sems[:n_chunks]
        wsem = sems[n_chunks]
        wid = lax.axis_index("c") * _NUM_SUBCORES + lax.axis_index("s")
        base = wid * b_per_w

        pltpu.sync_copy(params_hbm, params_v)
        nn = params_v[pl.ds(0, _LANES)].astype(jnp.int32)
        gs = params_v[pl.ds(_LANES, _LANES)].astype(jnp.int32)
        rcp_nn = params_v[pl.ds(2 * _LANES, _LANES)]
        rcp_gs = params_v[pl.ds(3 * _LANES, _LANES)]

        lane = lax.iota(jnp.int32, _LANES)

        def fire_gather(c):
            i = base + c * _LANES + lane
            im = i - _floor_div(i, nn, rcp_nn) * nn
            r = _floor_div(im, gs, rcp_gs)
            col = im - r * gs
            r = jnp.minimum(jnp.maximum(r, 0), g0 - 1)
            col = jnp.minimum(jnp.maximum(col, 0), g1 - 1)
            idx = r * g1 + col
            return pltpu.async_copy(
                table_hbm.at[idx],
                rows_v.at[pl.ds(c * _LANES, _LANES)],
                gsems[c])

        gathers = [fire_gather(c) for c in range(n_chunks)]
        for c in range(n_chunks):
            gathers[c].wait()
            pltpu.async_copy(
                rows_v.at[pl.ds(c * _LANES, _LANES)],
                out_hbm.at[pl.ds(base + c * _LANES, _LANES)],
                wsem)
        pltpu.make_async_copy(
            rows_v, out_hbm.at[pl.ds(base, b_per_w)], wsem).wait()

    return gather_kernel


def kernel(pe, num_nodes, grid_size):
    g0, g1, d = pe.shape
    n_rows = g0 * g1
    table = pe.reshape(n_rows, d)
    nn_f = jnp.asarray(num_nodes, jnp.int32).astype(jnp.float32)
    gs_f = jnp.asarray(grid_size, jnp.int32).astype(jnp.float32)
    params = jnp.concatenate([
        jnp.broadcast_to(nn_f, (_LANES,)),
        jnp.broadcast_to(gs_f, (_LANES,)),
        jnp.broadcast_to(1.0 / nn_f, (_LANES,)),
        jnp.broadcast_to(1.0 / gs_f, (_LANES,)),
    ])
    return _make_sc_gather(n_rows, g0, g1, d)(table, params)

# --- scband reference (transcript-rebuilt; emitter-appended) ---
"""Pipeline reference for scband-positional-encoding-12266426597751 (READ-ONLY COPY).

The authoritative reference and input builder live on the scoring server;
editing this copy changes nothing except your own understanding.
"""

import jax, jax.numpy as jnp
import numpy as np
import math

D_MODEL = 256
MAX_GRID = 64

def build_pe(d_model=D_MODEL, G=MAX_GRID):
    pe = np.zeros((G, G, d_model), dtype=np.float32)
    row = np.arange(G, dtype=np.float64)[:, None]
    col = np.arange(G, dtype=np.float64)[None, :]
    for i in range(0, d_model, 4):
        div = 10000.0 ** (i / d_model)
        pe[:, :, i] = np.sin(row / div)
        if i + 1 < d_model:
            pe[:, :, i + 1] = np.cos(row / div)
        if i + 2 < d_model:
            div2 = 10000.0 ** ((i + 2) / d_model)
            pe[:, :, i + 2] = np.sin(col / div2)
        if i + 3 < d_model:
            pe[:, :, i + 3] = np.cos(col / div2)
    return jnp.asarray(pe)

def setup_inputs() -> dict:
    pe = build_pe()
    return {"pe": pe, "num_nodes": 4096, "grid_size": 64}

def reference(pe, num_nodes, grid_size):
    n_static = pe.shape[0] * pe.shape[1]
    idx = jnp.arange(n_static, dtype=jnp.int32)
    idx = idx % jnp.asarray(num_nodes, dtype=jnp.int32)
    grid = jnp.asarray(grid_size, dtype=jnp.int32)
    rows = idx // grid
    cols = idx % grid
    # gather rows of the 2D positional table, equivalent to torch.stack of pe[row, col]
    return pe[rows, cols]

if __name__ == "__main__":
    import jax
    _d = setup_inputs()
    print(jax.jit(kernel)(*tuple(_d.values())))

</pallas_src>

<mosaic_0001>
#map = affine_map<(d0, d1) -> (0, 0)>
#map1 = affine_map<(d0, d1) -> (0)>
module attributes {stable_mosaic.version = 14 : i64} {
  func.func @gather_kernel(%arg0: i32, %arg1: i32, %arg2: memref<4096x256xf32, #tpu.memory_space<hbm>>, %arg3: memref<64xf32, #tpu.memory_space<hbm>>, %arg4: memref<4096x256xf32, #tpu.memory_space<hbm>>, %arg5: memref<64xf32, #tpu.memory_space<vmem>>, %arg6: memref<128x256xf32, #tpu.memory_space<vmem>>, %arg7: memref<!tpu.dma_semaphore, #tpu.memory_space<semaphore_mem>>, %arg8: memref<!tpu.dma_semaphore, #tpu.memory_space<semaphore_mem>>, %arg9: memref<!tpu.dma_semaphore, #tpu.memory_space<semaphore_mem>>, %arg10: memref<!tpu.dma_semaphore, #tpu.memory_space<semaphore_mem>>, %arg11: memref<!tpu.dma_semaphore, #tpu.memory_space<semaphore_mem>>, %arg12: memref<!tpu.dma_semaphore, #tpu.memory_space<semaphore_mem>>, %arg13: memref<!tpu.dma_semaphore, #tpu.memory_space<semaphore_mem>>, %arg14: memref<!tpu.dma_semaphore, #tpu.memory_space<semaphore_mem>>, %arg15: memref<!tpu.dma_semaphore, #tpu.memory_space<semaphore_mem>>) attributes {dimension_semantics = [#tpu.dimension_semantics<core_parallel>, #tpu.dimension_semantics<subcore_parallel>], iteration_bounds = array<i64: 2, 16>, scalar_prefetch = 0 : i64, scratch_operands = 11 : i64, tpu.core_type = #tpu.core_type<sc_vector_subcore>, window_params = [{transform_indices = #map}, {transform_indices = #map1}, {transform_indices = #map}]} {
    %mul3A = arith.constant 16 : i32
    %mul3A_0 = arith.muli %arg0, %mul3A : i32
    %add3A = arith.addi %mul3A_0, %arg1 : i32
    %mul3A_1 = arith.constant 128 : i32
    %mul3A_2 = arith.muli %add3A, %mul3A_1 : i32
    "tpu.region"() ({
      %run_scoped3A = tpu.sem_alloc : memref<!tpu.dma_semaphore, #tpu.memory_space<semaphore_mem>>
      tpu.enqueue_dma source(%arg3 : memref<64xf32, #tpu.memory_space<hbm>>) target(%arg5 : memref<64xf32, #tpu.memory_space<vmem>>) target_semaphore(%run_scoped3A : memref<!tpu.dma_semaphore, #tpu.memory_space<semaphore_mem>>)
      tpu.wait_dma2 semaphore(%run_scoped3A : memref<!tpu.dma_semaphore, #tpu.memory_space<semaphore_mem>>) src(%arg3 : memref<64xf32, #tpu.memory_space<hbm>>) dst(%arg5 : memref<64xf32, #tpu.memory_space<vmem>>)
      tpu.yield
    }) : () -> ()
    %get3A = arith.constant 0 : index
    %get3A_3 = tpu.vector_load %arg5[%get3A] {strides = array<i32>} : memref<64xf32, #tpu.memory_space<vmem>>, vector<16xf32>,
    %get3A_4 = vector.shape_cast %get3A_3 : vector<16xf32> to vector<16xf32>
    %convert_element_type3A = arith.fptosi %get3A_4 : vector<16xf32> to vector<16xi32>
    %get3A_5 = arith.constant 16 : index
    %get3A_6 = tpu.vector_load %arg5[%get3A_5] {strides = array<i32>} : memref<64xf32, #tpu.memory_space<vmem>>, vector<16xf32>,
    %get3A_7 = vector.shape_cast %get3A_6 : vector<16xf32> to vector<16xf32>
    %convert_element_type3A_8 = arith.fptosi %get3A_7 : vector<16xf32> to vector<16xi32>
    %get3A_9 = arith.constant 32 : index
    %get3A_10 = tpu.vector_load %arg5[%get3A_9] {strides = array<i32>} : memref<64xf32, #tpu.memory_space<vmem>>, vector<16xf32>,
    %get3A_11 = vector.shape_cast %get3A_10 : vector<16xf32> to vector<16xf32>
    %get3A_12 = arith.constant 48 : index
    %get3A_13 = tpu.vector_load %arg5[%get3A_12] {strides = array<i32>} : memref<64xf32, #tpu.memory_space<vmem>>, vector<16xf32>,
    %get3A_14 = vector.shape_cast %get3A_13 : vector<16xf32> to vector<16xf32>
    %iota3A = tpu.iota {dimensions = array<i32: 0>} : vector<16xi32>
    %add3A_15 = arith.constant 0 : i32
    %add3A_16 = arith.addi %mul3A_2, %add3A_15 : i32
    %add3A_17 = vector.broadcast %add3A_16 : i32 to vector<16xi32>
    %add3A_18 = arith.addi %add3A_17, %iota3A : vector<16xi32>
    %convert_element_type3A_19 = arith.sitofp %add3A_18 : vector<16xi32> to vector<16xf32>
    %mul3A_20 = arith.mulf %convert_element_type3A_19, %get3A_11 : vector<16xf32>
    %convert_element_type3A_21 = arith.fptosi %mul3A_20 : vector<16xf32> to vector<16xi32>
    %mul3A_22 = arith.muli %convert_element_type3A_21, %convert_element_type3A : vector<16xi32>
    %gt3A = arith.cmpi sgt, %mul3A_22, %add3A_18 : vector<16xi32>
    %sub3A = arith.constant 1 : i32
    %sub3A_23 = vector.broadcast %sub3A : i32 to vector<16xi32>
    %sub3A_24 = arith.subi %convert_element_type3A_21, %sub3A_23 : vector<16xi32>
    %select_n3A = arith.select %gt3A, %sub3A_24, %convert_element_type3A_21 : vector<16xi1>, vector<16xi32>
    %mul3A_25 = arith.muli %select_n3A, %convert_element_type3A : vector<16xi32>
    %sub3A_26 = arith.subi %add3A_18, %mul3A_25 : vector<16xi32>
    %ge3A = arith.cmpi sge, %sub3A_26, %convert_element_type3A : vector<16xi32>
    %add3A_27 = arith.constant 1 : i32
    %add3A_28 = vector.broadcast %add3A_27 : i32 to vector<16xi32>
    %add3A_29 = arith.addi %select_n3A, %add3A_28 : vector<16xi32>
    %select_n3A_30 = arith.select %ge3A, %add3A_29, %select_n3A : vector<16xi1>, vector<16xi32>
    %mul3A_31 = arith.muli %select_n3A_30, %convert_element_type3A : vector<16xi32>
    %sub3A_32 = arith.subi %add3A_18, %mul3A_31 : vector<16xi32>
    %convert_element_type3A_33 = arith.sitofp %sub3A_32 : vector<16xi32> to vector<16xf32>
    %mul3A_34 = arith.mulf %convert_element_type3A_33, %get3A_14 : vector<16xf32>
    %convert_element_type3A_35 = arith.fptosi %mul3A_34 : vector<16xf32> to vector<16xi32>
    %mul3A_36 = arith.muli %convert_element_type3A_35, %convert_element_type3A_8 : vector<16xi32>
    %gt3A_37 = arith.cmpi sgt, %mul3A_36, %sub3A_32 : vector<16xi32>
    %sub3A_38 = arith.constant 1 : i32
    %sub3A_39 = vector.broadcast %sub3A_38 : i32 to vector<16xi32>
    %sub3A_40 = arith.subi %convert_element_type3A_35, %sub3A_39 : vector<16xi32>
    %select_n3A_41 = arith.select %gt3A_37, %sub3A_40, %convert_element_type3A_35 : vector<16xi1>, vector<16xi32>
    %mul3A_42 = arith.muli %select_n3A_41, %convert_element_type3A_8 : vector<16xi32>
    %sub3A_43 = arith.subi %sub3A_32, %mul3A_42 : vector<16xi32>
    %ge3A_44 = arith.cmpi sge, %sub3A_43, %convert_element_type3A_8 : vector<16xi32>
    %add3A_45 = arith.constant 1 : i32
    %add3A_46 = vector.broadcast %add3A_45 : i32 to vector<16xi32>
    %add3A_47 = arith.addi %select_n3A_41, %add3A_46 : vector<16xi32>
    %select_n3A_48 = arith.select %ge3A_44, %add3A_47, %select_n3A_41 : vector<16xi1>, vector<16xi32>
    %mul3A_49 = arith.muli %select_n3A_48, %convert_element_type3A_8 : vector<16xi32>
    %sub3A_50 = arith.subi %sub3A_32, %mul3A_49 : vector<16xi32>
    %max3A = arith.constant 0 : i32
    %max3A_51 = vector.broadcast %max3A : i32 to vector<16xi32>
    %max3A_52 = arith.maxsi %select_n3A_48, %max3A_51 : vector<16xi32>
    %min3A = arith.constant 63 : i32
    %min3A_53 = vector.broadcast %min3A : i32 to vector<16xi32>
    %min3A_54 = arith.minsi %max3A_52, %min3A_53 : vector<16xi32>
    %max3A_55 = arith.constant 0 : i32
    %max3A_56 = vector.broadcast %max3A_55 : i32 to vector<16xi32>
    %max3A_57 = arith.maxsi %sub3A_50, %max3A_56 : vector<16xi32>
    %min3A_58 = arith.constant 63 : i32
    %min3A_59 = vector.broadcast %min3A_58 : i32 to vector<16xi32>
    %min3A_60 = arith.minsi %max3A_57, %min3A_59 : vector<16xi32>
    %mul3A_61 = arith.constant 64 : i32
    %mul3A_62 = vector.broadcast %mul3A_61 : i32 to vector<16xi32>
    %mul3A_63 = arith.muli %min3A_54, %mul3A_62 : vector<16xi32>
    %add3A_64 = arith.addi %mul3A_63, %min3A_60 : vector<16xi32>
    %dma_start3A = arith.constant 0 : i32
    %dma_start3A_65 = arith.constant 0 : i32
    %dma_start3A_66 = tpu.memref_slice %arg6[%dma_start3A, %dma_start3A_65] : memref<128x256xf32, #tpu.memory_space<vmem>> -> memref<16x256xf32, #tpu.memory_space<vmem>>
    %dma_start3A_67 = arith.constant 0 : i32
    %dma_start3A_68 = arith.constant 0 : i32
    %dma_start3A_69 = tpu.memref_slice %arg2[%dma_start3A_67, %dma_start3A_68] : memref<4096x256xf32, #tpu.memory_space<hbm>> -> memref<4096x256xf32, #tpu.memory_space<hbm>>
    tpu.enqueue_indirect_dma source(%dma_start3A_69 : memref<4096x256xf32, #tpu.memory_space<hbm>>) target(%dma_start3A_66 : memref<16x256xf32, #tpu.memory_space<vmem>>) offsets(%add3A_64 : vector<16xi32>) semaphore(%arg7 : memref<!tpu.dma_semaphore, #tpu.memory_space<semaphore_mem>>)
    %add3A_70 = arith.constant 16 : i32
    %add3A_71 = arith.addi %mul3A_2, %add3A_70 : i32
    %add3A_72 = vector.broadcast %add3A_71 : i32 to vector<16xi32>
    %add3A_73 = arith.addi %add3A_72, %iota3A : vector<16xi32>
    %convert_element_type3A_74 = arith.sitofp %add3A_73 : vector<16xi32> to vector<16xf32>
    %mul3A_75 = arith.mulf %convert_element_type3A_74, %get3A_11 : vector<16xf32>
    %convert_element_type3A_76 = arith.fptosi %mul3A_75 : vector<16xf32> to vector<16xi32>
    %mul3A_77 = arith.muli %convert_element_type3A_76, %convert_element_type3A : vector<16xi32>
    %gt3A_78 = arith.cmpi sgt, %mul3A_77, %add3A_73 : vector<16xi32>
    %sub3A_79 = arith.constant 1 : i32
    %sub3A_80 = vector.broadcast %sub3A_79 : i32 to vector<16xi32>
    %sub3A_81 = arith.subi %convert_element_type3A_76, %sub3A_80 : vector<16xi32>
    %select_n3A_82 = arith.select %gt3A_78, %sub3A_81, %convert_element_type3A_76 : vector<16xi1>, vector<16xi32>
    %mul3A_83 = arith.muli %select_n3A_82, %convert_element_type3A : vector<16xi32>
    %sub3A_84 = arith.subi %add3A_73, %mul3A_83 : vector<16xi32>
    %ge3A_85 = arith.cmpi sge, %sub3A_84, %convert_element_type3A : vector<16xi32>
    %add3A_86 = arith.constant 1 : i32
    %add3A_87 = vector.broadcast %add3A_86 : i32 to vector<16xi32>
    %add3A_88 = arith.addi %select_n3A_82, %add3A_87 : vector<16xi32>
    %select_n3A_89 = arith.select %ge3A_85, %add3A_88, %select_n3A_82 : vector<16xi1>, vector<16xi32>
    %mul3A_90 = arith.muli %select_n3A_89, %convert_element_type3A : vector<16xi32>
    %sub3A_91 = arith.subi %add3A_73, %mul3A_90 : vector<16xi32>
    %convert_element_type3A_92 = arith.sitofp %sub3A_91 : vector<16xi32> to vector<16xf32>
    %mul3A_93 = arith.mulf %convert_element_type3A_92, %get3A_14 : vector<16xf32>
    %convert_element_type3A_94 = arith.fptosi %mul3A_93 : vector<16xf32> to vector<16xi32>
    %mul3A_95 = arith.muli %convert_element_type3A_94, %convert_element_type3A_8 : vector<16xi32>
    %gt3A_96 = arith.cmpi sgt, %mul3A_95, %sub3A_91 : vector<16xi32>
    %sub3A_97 = arith.constant 1 : i32
    %sub3A_98 = vector.broadcast %sub3A_97 : i32 to vector<16xi32>
    %sub3A_99 = arith.subi %convert_element_type3A_94, %sub3A_98 : vector<16xi32>
    %select_n3A_100 = arith.select %gt3A_96, %sub3A_99, %convert_element_type3A_94 : vector<16xi1>, vector<16xi32>
    %mul3A_101 = arith.muli %select_n3A_100, %convert_element_type3A_8 : vector<16xi32>
    %sub3A_102 = arith.subi %sub3A_91, %mul3A_101 : vector<16xi32>
    %ge3A_103 = arith.cmpi sge, %sub3A_102, %convert_element_type3A_8 : vector<16xi32>
    %add3A_104 = arith.constant 1 : i32
    %add3A_105 = vector.broadcast %add3A_104 : i32 to vector<16xi32>
    %add3A_106 = arith.addi %select_n3A_100, %add3A_105 : vector<16xi32>
    %select_n3A_107 = arith.select %ge3A_103, %add3A_106, %select_n3A_100 : vector<16xi1>, vector<16xi32>
    %mul3A_108 = arith.muli %select_n3A_107, %convert_element_type3A_8 : vector<16xi32>
    %sub3A_109 = arith.subi %sub3A_91, %mul3A_108 : vector<16xi32>
    %max3A_110 = arith.constant 0 : i32
    %max3A_111 = vector.broadcast %max3A_110 : i32 to vector<16xi32>
    %max3A_112 = arith.maxsi %select_n3A_107, %max3A_111 : vector<16xi32>
    %min3A_113 = arith.constant 63 : i32
    %min3A_114 = vector.broadcast %min3A_113 : i32 to vector<16xi32>
    %min3A_115 = arith.minsi %max3A_112, %min3A_114 : vector<16xi32>
    %max3A_116 = arith.constant 0 : i32
    %max3A_117 = vector.broadcast %max3A_116 : i32 to vector<16xi32>
    %max3A_118 = arith.maxsi %sub3A_109, %max3A_117 : vector<16xi32>
    %min3A_119 = arith.constant 63 : i32
    %min3A_120 = vector.broadcast %min3A_119 : i32 to vector<16xi32>
    %min3A_121 = arith.minsi %max3A_118, %min3A_120 : vector<16xi32>
    %mul3A_122 = arith.constant 64 : i32
    %mul3A_123 = vector.broadcast %mul3A_122 : i32 to vector<16xi32>
    %mul3A_124 = arith.muli %min3A_115, %mul3A_123 : vector<16xi32>
    %add3A_125 = arith.addi %mul3A_124, %min3A_121 : vector<16xi32>
    %dma_start3A_126 = arith.constant 16 : i32
    %dma_start3A_127 = arith.constant 0 : i32
    %dma_start3A_128 = tpu.memref_slice %arg6[%dma_start3A_126, %dma_start3A_127] : memref<128x256xf32, #tpu.memory_space<vmem>> -> memref<16x256xf32, #tpu.memory_space<vmem>>
    %dma_start3A_129 = arith.constant 0 : i32
    %dma_start3A_130 = arith.constant 0 : i32
    %dma_start3A_131 = tpu.memref_slice %arg2[%dma_start3A_129, %dma_start3A_130] : memref<4096x256xf32, #tpu.memory_space<hbm>> -> memref<4096x256xf32, #tpu.memory_space<hbm>>
    tpu.enqueue_indirect_dma source(%dma_start3A_131 : memref<4096x256xf32, #tpu.memory_space<hbm>>) target(%dma_start3A_128 : memref<16x256xf32, #tpu.memory_space<vmem>>) offsets(%add3A_125 : vector<16xi32>) semaphore(%arg8 : memref<!tpu.dma_semaphore, #tpu.memory_space<semaphore_mem>>)
    %add3A_132 = arith.constant 32 : i32
    %add3A_133 = arith.addi %mul3A_2, %add3A_132 : i32
    %add3A_134 = vector.broadcast %add3A_133 : i32 to vector<16xi32>
    %add3A_135 = arith.addi %add3A_134, %iota3A : vector<16xi32>
    %convert_element_type3A_136 = arith.sitofp %add3A_135 : vector<16xi32> to vector<16xf32>
    %mul3A_137 = arith.mulf %convert_element_type3A_136, %get3A_11 : vector<16xf32>
    %convert_element_type3A_138 = arith.fptosi %mul3A_137 : vector<16xf32> to vector<16xi32>
    %mul3A_139 = arith.muli %convert_element_type3A_138, %convert_element_type3A : vector<16xi32>
    %gt3A_140 = arith.cmpi sgt, %mul3A_139, %add3A_135 : vector<16xi32>
    %sub3A_141 = arith.constant 1 : i32
    %sub3A_142 = vector.broadcast %sub3A_141 : i32 to vector<16xi32>
    %sub3A_143 = arith.subi %convert_element_type3A_138, %sub3A_142 : vector<16xi32>
    %select_n3A_144 = arith.select %gt3A_140, %sub3A_143, %convert_element_type3A_138 : vector<16xi1>, vector<16xi32>
    %mul3A_145 = arith.muli %select_n3A_144, %convert_element_type3A : vector<16xi32>
    %sub3A_146 = arith.subi %add3A_135, %mul3A_145 : vector<16xi32>
    %ge3A_147 = arith.cmpi sge, %sub3A_146, %convert_element_type3A : vector<16xi32>
    %add3A_148 = arith.constant 1 : i32
    %add3A_149 = vector.broadcast %add3A_148 : i32 to vector<16xi32>
    %add3A_150 = arith.addi %select_n3A_144, %add3A_149 : vector<16xi32>
    %select_n3A_151 = arith.select %ge3A_147, %add3A_150, %select_n3A_144 : vector<16xi1>, vector<16xi32>
    %mul3A_152 = arith.muli %select_n3A_151, %convert_element_type3A : vector<16xi32>
    %sub3A_153 = arith.subi %add3A_135, %mul3A_152 : vector<16xi32>
    %convert_element_type3A_154 = arith.sitofp %sub3A_153 : vector<16xi32> to vector<16xf32>
    %mul3A_155 = arith.mulf %convert_element_type3A_154, %get3A_14 : vector<16xf32>
    %convert_element_type3A_156 = arith.fptosi %mul3A_155 : vector<16xf32> to vector<16xi32>
    %mul3A_157 = arith.muli %convert_element_type3A_156, %convert_element_type3A_8 : vector<16xi32>
    %gt3A_158 = arith.cmpi sgt, %mul3A_157, %sub3A_153 : vector<16xi32>
    %sub3A_159 = arith.constant 1 : i32
    %sub3A_160 = vector.broadcast %sub3A_159 : i32 to vector<16xi32>
    %sub3A_161 = arith.subi %convert_element_type3A_156, %sub3A_160 : vector<16xi32>
    %select_n3A_162 = arith.select %gt3A_158, %sub3A_161, %convert_element_type3A_156 : vector<16xi1>, vector<16xi32>
    %mul3A_163 = arith.muli %select_n3A_162, %convert_element_type3A_8 : vector<16xi32>
    %sub3A_164 = arith.subi %sub3A_153, %mul3A_163 : vector<16xi32>
    %ge3A_165 = arith.cmpi sge, %sub3A_164, %convert_element_type3A_8 : vector<16xi32>
    %add3A_166 = arith.constant 1 : i32
    %add3A_167 = vector.broadcast %add3A_166 : i32 to vector<16xi32>
    %add3A_168 = arith.addi %select_n3A_162, %add3A_167 : vector<16xi32>
    %select_n3A_169 = arith.select %ge3A_165, %add3A_168, %select_n3A_162 : vector<16xi1>, vector<16xi32>
    %mul3A_170 = arith.muli %select_n3A_169, %convert_element_type3A_8 : vector<16xi32>
    %sub3A_171 = arith.subi %sub3A_153, %mul3A_170 : vector<16xi32>
    %max3A_172 = arith.constant 0 : i32
    %max3A_173 = vector.broadcast %max3A_172 : i32 to vector<16xi32>
    %max3A_174 = arith.maxsi %select_n3A_169, %max3A_173 : vector<16xi32>
    %min3A_175 = arith.constant 63 : i32
    %min3A_176 = vector.broadcast %min3A_175 : i32 to vector<16xi32>
    %min3A_177 = arith.minsi %max3A_174, %min3A_176 : vector<16xi32>
    %max3A_178 = arith.constant 0 : i32
    %max3A_179 = vector.broadcast %max3A_178 : i32 to vector<16xi32>
    %max3A_180 = arith.maxsi %sub3A_171, %max3A_179 : vector<16xi32>
    %min3A_181 = arith.constant 63 : i32
    %min3A_182 = vector.broadcast %min3A_181 : i32 to vector<16xi32>
    %min3A_183 = arith.minsi %max3A_180, %min3A_182 : vector<16xi32>
    %mul3A_184 = arith.constant 64 : i32
    %mul3A_185 = vector.broadcast %mul3A_184 : i32 to vector<16xi32>
    %mul3A_186 = arith.muli %min3A_177, %mul3A_185 : vector<16xi32>
    %add3A_187 = arith.addi %mul3A_186, %min3A_183 : vector<16xi32>
    %dma_start3A_188 = arith.constant 32 : i32
    %dma_start3A_189 = arith.constant 0 : i32
    %dma_start3A_190 = tpu.memref_slice %arg6[%dma_start3A_188, %dma_start3A_189] : memref<128x256xf32, #tpu.memory_space<vmem>> -> memref<16x256xf32, #tpu.memory_space<vmem>>
    %dma_start3A_191 = arith.constant 0 : i32
    %dma_start3A_192 = arith.constant 0 : i32
    %dma_start3A_193 = tpu.memref_slice %arg2[%dma_start3A_191, %dma_start3A_192] : memref<4096x256xf32, #tpu.memory_space<hbm>> -> memref<4096x256xf32, #tpu.memory_space<hbm>>
    tpu.enqueue_indirect_dma source(%dma_start3A_193 : memref<4096x256xf32, #tpu.memory_space<hbm>>) target(%dma_start3A_190 : memref<16x256xf32, #tpu.memory_space<vmem>>) offsets(%add3A_187 : vector<16xi32>) semaphore(%arg9 : memref<!tpu.dma_semaphore, #tpu.memory_space<semaphore_mem>>)
    %add3A_194 = arith.constant 48 : i32
    %add3A_195 = arith.addi %mul3A_2, %add3A_194 : i32
    %add3A_196 = vector.broadcast %add3A_195 : i32 to vector<16xi32>
    %add3A_197 = arith.addi %add3A_196, %iota3A : vector<16xi32>
    %convert_element_type3A_198 = arith.sitofp %add3A_197 : vector<16xi32> to vector<16xf32>
    %mul3A_199 = arith.mulf %convert_element_type3A_198, %get3A_11 : vector<16xf32>
    %convert_element_type3A_200 = arith.fptosi %mul3A_199 : vector<16xf32> to vector<16xi32>
    %mul3A_201 = arith.muli %convert_element_type3A_200, %convert_element_type3A : vector<16xi32>
    %gt3A_202 = arith.cmpi sgt, %mul3A_201, %add3A_197 : vector<16xi32>
    %sub3A_203 = arith.constant 1 : i32
    %sub3A_204 = vector.broadcast %sub3A_203 : i32 to vector<16xi32>
    %sub3A_205 = arith.subi %convert_element_type3A_200, %sub3A_204 : vector<16xi32>
    %select_n3A_206 = arith.select %gt3A_202, %sub3A_205, %convert_element_type3A_200 : vector<16xi1>, vector<16xi32>
    %mul3A_207 = arith.muli %select_n3A_206, %convert_element_type3A : vector<16xi32>
    %sub3A_208 = arith.subi %add3A_197, %mul3A_207 : vector<16xi32>
    %ge3A_209 = arith.cmpi sge, %sub3A_208, %convert_element_type3A : vector<16xi32>
    %add3A_210 = arith.constant 1 : i32
    %add3A_211 = vector.broadcast %add3A_210 : i32 to vector<16xi32>
    %add3A_212 = arith.addi %select_n3A_206, %add3A_211 : vector<16xi32>
    %select_n3A_213 = arith.select %ge3A_209, %add3A_212, %select_n3A_206 : vector<16xi1>, vector<16xi32>
    %mul3A_214 = arith.muli %select_n3A_213, %convert_element_type3A : vector<16xi32>
    %sub3A_215 = arith.subi %add3A_197, %mul3A_214 : vector<16xi32>
    %convert_element_type3A_216 = arith.sitofp %sub3A_215 : vector<16xi32> to vector<16xf32>
    %mul3A_217 = arith.mulf %convert_element_type3A_216, %get3A_14 : vector<16xf32>
    %convert_element_type3A_218 = arith.fptosi %mul3A_217 : vector<16xf32> to vector<16xi32>
    %mul3A_219 = arith.muli %convert_element_type3A_218, %convert_element_type3A_8 : vector<16xi32>
    %gt3A_220 = arith.cmpi sgt, %mul3A_219, %sub3A_215 : vector<16xi32>
    %sub3A_221 = arith.constant 1 : i32
    %sub3A_222 = vector.broadcast %sub3A_221 : i32 to vector<16xi32>
    %sub3A_223 = arith.subi %convert_element_type3A_218, %sub3A_222 : vector<16xi32>
    %select_n3A_224 = arith.select %gt3A_220, %sub3A_223, %convert_element_type3A_218 : vector<16xi1>, vector<16xi32>
    %mul3A_225 = arith.muli %select_n3A_224, %convert_element_type3A_8 : vector<16xi32>
    %sub3A_226 = arith.subi %sub3A_215, %mul3A_225 : vector<16xi32>
    %ge3A_227 = arith.cmpi sge, %sub3A_226, %convert_element_type3A_8 : vector<16xi32>
    %add3A_228 = arith.constant 1 : i32
    %add3A_229 = vector.broadcast %add3A_228 : i32 to vector<16xi32>
    %add3A_230 = arith.addi %select_n3A_224, %add3A_229 : vector<16xi32>
    %select_n3A_231 = arith.select %ge3A_227, %add3A_230, %select_n3A_224 : vector<16xi1>, vector<16xi32>
    %mul3A_232 = arith.muli %select_n3A_231, %convert_element_type3A_8 : vector<16xi32>
    %sub3A_233 = arith.subi %sub3A_215, %mul3A_232 : vector<16xi32>
    %max3A_234 = arith.constant 0 : i32
    %max3A_235 = vector.broadcast %max3A_234 : i32 to vector<16xi32>
    %max3A_236 = arith.maxsi %select_n3A_231, %max3A_235 : vector<16xi32>
    %min3A_237 = arith.constant 63 : i32
    %min3A_238 = vector.broadcast %min3A_237 : i32 to vector<16xi32>
    %min3A_239 = arith.minsi %max3A_236, %min3A_238 : vector<16xi32>
    %max3A_240 = arith.constant 0 : i32
    %max3A_241 = vector.broadcast %max3A_240 : i32 to vector<16xi32>
    %max3A_242 = arith.maxsi %sub3A_233, %max3A_241 : vector<16xi32>
    %min3A_243 = arith.constant 63 : i32
    %min3A_244 = vector.broadcast %min3A_243 : i32 to vector<16xi32>
    %min3A_245 = arith.minsi %max3A_242, %min3A_244 : vector<16xi32>
    %mul3A_246 = arith.constant 64 : i32
    %mul3A_247 = vector.broadcast %mul3A_246 : i32 to vector<16xi32>
    %mul3A_248 = arith.muli %min3A_239, %mul3A_247 : vector<16xi32>
    %add3A_249 = arith.addi %mul3A_248, %min3A_245 : vector<16xi32>
    %dma_start3A_250 = arith.constant 48 : i32
    %dma_start3A_251 = arith.constant 0 : i32
    %dma_start3A_252 = tpu.memref_slice %arg6[%dma_start3A_250, %dma_start3A_251] : memref<128x256xf32, #tpu.memory_space<vmem>> -> memref<16x256xf32, #tpu.memory_space<vmem>>
    %dma_start3A_253 = arith.constant 0 : i32
    %dma_start3A_254 = arith.constant 0 : i32
    %dma_start3A_255 = tpu.memref_slice %arg2[%dma_start3A_253, %dma_start3A_254] : memref<4096x256xf32, #tpu.memory_space<hbm>> -> memref<4096x256xf32, #tpu.memory_space<hbm>>
    tpu.enqueue_indirect_dma source(%dma_start3A_255 : memref<4096x256xf32, #tpu.memory_space<hbm>>) target(%dma_start3A_252 : memref<16x256xf32, #tpu.memory_space<vmem>>) offsets(%add3A_249 : vector<16xi32>) semaphore(%arg10 : memref<!tpu.dma_semaphore, #tpu.memory_space<semaphore_mem>>)
    %add3A_256 = arith.constant 64 : i32
    %add3A_257 = arith.addi %mul3A_2, %add3A_256 : i32
    %add3A_258 = vector.broadcast %add3A_257 : i32 to vector<16xi32>
    %add3A_259 = arith.addi %add3A_258, %iota3A : vector<16xi32>
    %convert_element_type3A_260 = arith.sitofp %add3A_259 : vector<16xi32> to vector<16xf32>
    %mul3A_261 = arith.mulf %convert_element_type3A_260, %get3A_11 : vector<16xf32>
    %convert_element_type3A_262 = arith.fptosi %mul3A_261 : vector<16xf32> to vector<16xi32>
    %mul3A_263 = arith.muli %convert_element_type3A_262, %convert_element_type3A : vector<16xi32>
    %gt3A_264 = arith.cmpi sgt, %mul3A_263, %add3A_259 : vector<16xi32>
    %sub3A_265 = arith.constant 1 : i32
    %sub3A_266 = vector.broadcast %sub3A_265 : i32 to vector<16xi32>
    %sub3A_267 = arith.subi %convert_element_type3A_262, %sub3A_266 : vector<16xi32>
    %select_n3A_268 = arith.select %gt3A_264, %sub3A_267, %convert_element_type3A_262 : vector<16xi1>, vector<16xi32>
    %mul3A_269 = arith.muli %select_n3A_268, %convert_element_type3A : vector<16xi32>
    %sub3A_270 = arith.subi %add3A_259, %mul3A_269 : vector<16xi32>
    %ge3A_271 = arith.cmpi sge, %sub3A_270, %convert_element_type3A : vector<16xi32>
    %add3A_272 = arith.constant 1 : i32
    %add3A_273 = vector.broadcast %add3A_272 : i32 to vector<16xi32>
    %add3A_274 = arith.addi %select_n3A_268, %add3A_273 : vector<16xi32>
    %select_n3A_275 = arith.select %ge3A_271, %add3A_274, %select_n3A_268 : vector<16xi1>, vector<16xi32>
    %mul3A_276 = arith.muli %select_n3A_275, %convert_element_type3A : vector<16xi32>
    %sub3A_277 = arith.subi %add3A_259, %mul3A_276 : vector<16xi32>
    %convert_element_type3A_278 = arith.sitofp %sub3A_277 : vector<16xi32> to vector<16xf32>
    %mul3A_279 = arith.mulf %convert_element_type3A_278, %get3A_14 : vector<16xf32>
    %convert_element_type3A_280 = arith.fptosi %mul3A_279 : vector<16xf32> to vector<16xi32>
    %mul3A_281 = arith.muli %convert_element_type3A_280, %convert_element_type3A_8 : vector<16xi32>
    %gt3A_282 = arith.cmpi sgt, %mul3A_281, %sub3A_277 : vector<16xi32>
    %sub3A_283 = arith.constant 1 : i32
    %sub3A_284 = vector.broadcast %sub3A_283 : i32 to vector<16xi32>
    %sub3A_285 = arith.subi %convert_element_type3A_280, %sub3A_284 : vector<16xi32>
    %select_n3A_286 = arith.select %gt3A_282, %sub3A_285, %convert_element_type3A_280 : vector<16xi1>, vector<16xi32>
    %mul3A_287 = arith.muli %select_n3A_286, %convert_element_type3A_8 : vector<16xi32>
    %sub3A_288 = arith.subi %sub3A_277, %mul3A_287 : vector<16xi32>
    %ge3A_289 = arith.cmpi sge, %sub3A_288, %convert_element_type3A_8 : vector<16xi32>
    %add3A_290 = arith.constant 1 : i32
    %add3A_291 = vector.broadcast %add3A_290 : i32 to vector<16xi32>
    %add3A_292 = arith.addi %select_n3A_286, %add3A_291 : vector<16xi32>
    %select_n3A_293 = arith.select %ge3A_289, %add3A_292, %select_n3A_286 : vector<16xi1>, vector<16xi32>
    %mul3A_294 = arith.muli %select_n3A_293, %convert_element_type3A_8 : vector<16xi32>
    %sub3A_295 = arith.subi %sub3A_277, %mul3A_294 : vector<16xi32>
    %max3A_296 = arith.constant 0 : i32
    %max3A_297 = vector.broadcast %max3A_296 : i32 to vector<16xi32>
    %max3A_298 = arith.maxsi %select_n3A_293, %max3A_297 : vector<16xi32>
    %min3A_299 = arith.constant 63 : i32
    %min3A_300 = vector.broadcast %min3A_299 : i32 to vector<16xi32>
    %min3A_301 = arith.minsi %max3A_298, %min3A_300 : vector<16xi32>
    %max3A_302 = arith.constant 0 : i32
    %max3A_303 = vector.broadcast %max3A_302 : i32 to vector<16xi32>
    %max3A_304 = arith.maxsi %sub3A_295, %max3A_303 : vector<16xi32>
    %min3A_305 = arith.constant 63 : i32
    %min3A_306 = vector.broadcast %min3A_305 : i32 to vector<16xi32>
    %min3A_307 = arith.minsi %max3A_304, %min3A_306 : vector<16xi32>
    %mul3A_308 = arith.constant 64 : i32
    %mul3A_309 = vector.broadcast %mul3A_308 : i32 to vector<16xi32>
    %mul3A_310 = arith.muli %min3A_301, %mul3A_309 : vector<16xi32>
    %add3A_311 = arith.addi %mul3A_310, %min3A_307 : vector<16xi32>
    %dma_start3A_312 = arith.constant 64 : i32
    %dma_start3A_313 = arith.constant 0 : i32
    %dma_start3A_314 = tpu.memref_slice %arg6[%dma_start3A_312, %dma_start3A_313] : memref<128x256xf32, #tpu.memory_space<vmem>> -> memref<16x256xf32, #tpu.memory_space<vmem>>
    %dma_start3A_315 = arith.constant 0 : i32
    %dma_start3A_316 = arith.constant 0 : i32
    %dma_start3A_317 = tpu.memref_slice %arg2[%dma_start3A_315, %dma_start3A_316] : memref<4096x256xf32, #tpu.memory_space<hbm>> -> memref<4096x256xf32, #tpu.memory_space<hbm>>
    tpu.enqueue_indirect_dma source(%dma_start3A_317 : memref<4096x256xf32, #tpu.memory_space<hbm>>) target(%dma_start3A_314 : memref<16x256xf32, #tpu.memory_space<vmem>>) offsets(%add3A_311 : vector<16xi32>) semaphore(%arg11 : memref<!tpu.dma_semaphore, #tpu.memory_space<semaphore_mem>>)
    %add3A_318 = arith.constant 80 : i32
    %add3A_319 = arith.addi %mul3A_2, %add3A_318 : i32
    %add3A_320 = vector.broadcast %add3A_319 : i32 to vector<16xi32>
    %add3A_321 = arith.addi %add3A_320, %iota3A : vector<16xi32>
    %convert_element_type3A_322 = arith.sitofp %add3A_321 : vector<16xi32> to vector<16xf32>
    %mul3A_323 = arith.mulf %convert_element_type3A_322, %get3A_11 : vector<16xf32>
    %convert_element_type3A_324 = arith.fptosi %mul3A_323 : vector<16xf32> to vector<16xi32>
    %mul3A_325 = arith.muli %convert_element_type3A_324, %convert_element_type3A : vector<16xi32>
    %gt3A_326 = arith.cmpi sgt, %mul3A_325, %add3A_321 : vector<16xi32>
    %sub3A_327 = arith.constant 1 : i32
    %sub3A_328 = vector.broadcast %sub3A_327 : i32 to vector<16xi32>
    %sub3A_329 = arith.subi %convert_element_type3A_324, %sub3A_328 : vector<16xi32>
    %select_n3A_330 = arith.select %gt3A_326, %sub3A_329, %convert_element_type3A_324 : vector<16xi1>, vector<16xi32>
    %mul3A_331 = arith.muli %select_n3A_330, %convert_element_type3A : vector<16xi32>
    %sub3A_332 = arith.subi %add3A_321, %mul3A_331 : vector<16xi32>
    %ge3A_333 = arith.cmpi sge, %sub3A_332, %convert_element_type3A : vector<16xi32>
    %add3A_334 = arith.constant 1 : i32
    %add3A_335 = vector.broadcast %add3A_334 : i32 to vector<16xi32>
    %add3A_336 = arith.addi %select_n3A_330, %add3A_335 : vector<16xi32>
    %select_n3A_337 = arith.select %ge3A_333, %add3A_336, %select_n3A_330 : vector<16xi1>, vector<16xi32>
    %mul3A_338 = arith.muli %select_n3A_337, %convert_element_type3A : vector<16xi32>
    %sub3A_339 = arith.subi %add3A_321, %mul3A_338 : vector<16xi32>
    %convert_element_type3A_340 = arith.sitofp %sub3A_339 : vector<16xi32> to vector<16xf32>
    %mul3A_341 = arith.mulf %convert_element_type3A_340, %get3A_14 : vector<16xf32>
    %convert_element_type3A_342 = arith.fptosi %mul3A_341 : vector<16xf32> to vector<16xi32>
    %mul3A_343 = arith.muli %convert_element_type3A_342, %convert_element_type3A_8 : vector<16xi32>
    %gt3A_344 = arith.cmpi sgt, %mul3A_343, %sub3A_339 : vector<16xi32>
    %sub3A_345 = arith.constant 1 : i32
    %sub3A_346 = vector.broadcast %sub3A_345 : i32 to vector<16xi32>
    %sub3A_347 = arith.subi %convert_element_type3A_342, %sub3A_346 : vector<16xi32>
    %select_n3A_348 = arith.select %gt3A_344, %sub3A_347, %convert_element_type3A_342 : vector<16xi1>, vector<16xi32>
    %mul3A_349 = arith.muli %select_n3A_348, %convert_element_type3A_8 : vector<16xi32>
    %sub3A_350 = arith.subi %sub3A_339, %mul3A_349 : vector<16xi32>
    %ge3A_351 = arith.cmpi sge, %sub3A_350, %convert_element_type3A_8 : vector<16xi32>
    %add3A_352 = arith.constant 1 : i32
    %add3A_353 = vector.broadcast %add3A_352 : i32 to vector<16xi32>
    %add3A_354 = arith.addi %select_n3A_348, %add3A_353 : vector<16xi32>
    %select_n3A_355 = arith.select %ge3A_351, %add3A_354, %select_n3A_348 : vector<16xi1>, vector<16xi32>
    %mul3A_356 = arith.muli %select_n3A_355, %convert_element_type3A_8 : vector<16xi32>
    %sub3A_357 = arith.subi %sub3A_339, %mul3A_356 : vector<16xi32>
    %max3A_358 = arith.constant 0 : i32
    %max3A_359 = vector.broadcast %max3A_358 : i32 to vector<16xi32>
    %max3A_360 = arith.maxsi %select_n3A_355, %max3A_359 : vector<16xi32>
    %min3A_361 = arith.constant 63 : i32
    %min3A_362 = vector.broadcast %min3A_361 : i32 to vector<16xi32>
    %min3A_363 = arith.minsi %max3A_360, %min3A_362 : vector<16xi32>
    %max3A_364 = arith.constant 0 : i32
    %max3A_365 = vector.broadcast %max3A_364 : i32 to vector<16xi32>
    %max3A_366 = arith.maxsi %sub3A_357, %max3A_365 : vector<16xi32>
    %min3A_367 = arith.constant 63 : i32
    %min3A_368 = vector.broadcast %min3A_367 : i32 to vector<16xi32>
    %min3A_369 = arith.minsi %max3A_366, %min3A_368 : vector<16xi32>
    %mul3A_370 = arith.constant 64 : i32
    %mul3A_371 = vector.broadcast %mul3A_370 : i32 to vector<16xi32>
    %mul3A_372 = arith.muli %min3A_363, %mul3A_371 : vector<16xi32>
    %add3A_373 = arith.addi %mul3A_372, %min3A_369 : vector<16xi32>
    %dma_start3A_374 = arith.constant 80 : i32
    %dma_start3A_375 = arith.constant 0 : i32
    %dma_start3A_376 = tpu.memref_slice %arg6[%dma_start3A_374, %dma_start3A_375] : memref<128x256xf32, #tpu.memory_space<vmem>> -> memref<16x256xf32, #tpu.memory_space<vmem>>
    %dma_start3A_377 = arith.constant 0 : i32
    %dma_start3A_378 = arith.constant 0 : i32
    %dma_start3A_379 = tpu.memref_slice %arg2[%dma_start3A_377, %dma_start3A_378] : memref<4096x256xf32, #tpu.memory_space<hbm>> -> memref<4096x256xf32, #tpu.memory_space<hbm>>
    tpu.enqueue_indirect_dma source(%dma_start3A_379 : memref<4096x256xf32, #tpu.memory_space<hbm>>) target(%dma_start3A_376 : memref<16x256xf32, #tpu.memory_space<vmem>>) offsets(%add3A_373 : vector<16xi32>) semaphore(%arg12 : memref<!tpu.dma_semaphore, #tpu.memory_space<semaphore_mem>>)
    %add3A_380 = arith.constant 96 : i32
    %add3A_381 = arith.addi %mul3A_2, %add3A_380 : i32
    %add3A_382 = vector.broadcast %add3A_381 : i32 to vector<16xi32>
    %add3A_383 = arith.addi %add3A_382, %iota3A : vector<16xi32>
    %convert_element_type3A_384 = arith.sitofp %add3A_383 : vector<16xi32> to vector<16xf32>
    %mul3A_385 = arith.mulf %convert_element_type3A_384, %get3A_11 : vector<16xf32>
    %convert_element_type3A_386 = arith.fptosi %mul3A_385 : vector<16xf32> to vector<16xi32>
    %mul3A_387 = arith.muli %convert_element_type3A_386, %convert_element_type3A : vector<16xi32>
    %gt3A_388 = arith.cmpi sgt, %mul3A_387, %add3A_383 : vector<16xi32>
    %sub3A_389 = arith.constant 1 : i32
    %sub3A_390 = vector.broadcast %sub3A_389 : i32 to vector<16xi32>
    %sub3A_391 = arith.subi %convert_element_type3A_386, %sub3A_390 : vector<16xi32>
    %select_n3A_392 = arith.select %gt3A_388, %sub3A_391, %convert_element_type3A_386 : vector<16xi1>, vector<16xi32>
    %mul3A_393 = arith.muli %select_n3A_392, %convert_element_type3A : vector<16xi32>
    %sub3A_394 = arith.subi %add3A_383, %mul3A_393 : vector<16xi32>
    %ge3A_395 = arith.cmpi sge, %sub3A_394, %convert_element_type3A : vector<16xi32>
    %add3A_396 = arith.constant 1 : i32
    %add3A_397 = vector.broadcast %add3A_396 : i32 to vector<16xi32>
    %add3A_398 = arith.addi %select_n3A_392, %add3A_397 : vector<16xi32>
    %select_n3A_399 = arith.select %ge3A_395, %add3A_398, %select_n3A_392 : vector<16xi1>, vector<16xi32>
    %mul3A_400 = arith.muli %select_n3A_399, %convert_element_type3A : vector<16xi32>
    %sub3A_401 = arith.subi %add3A_383, %mul3A_400 : vector<16xi32>
    %convert_element_type3A_402 = arith.sitofp %sub3A_401 : vector<16xi32> to vector<16xf32>
    %mul3A_403 = arith.mulf %convert_element_type3A_402, %get3A_14 : vector<16xf32>
    %convert_element_type3A_404 = arith.fptosi %mul3A_403 : vector<16xf32> to vector<16xi32>
    %mul3A_405 = arith.muli %convert_element_type3A_404, %convert_element_type3A_8 : vector<16xi32>
    %gt3A_406 = arith.cmpi sgt, %mul3A_405, %sub3A_401 : vector<16xi32>
    %sub3A_407 = arith.constant 1 : i32
    %sub3A_408 = vector.broadcast %sub3A_407 : i32 to vector<16xi32>
    %sub3A_409 = arith.subi %convert_element_type3A_404, %sub3A_408 : vector<16xi32>
    %select_n3A_410 = arith.select %gt3A_406, %sub3A_409, %convert_element_type3A_404 : vector<16xi1>, vector<16xi32>
    %mul3A_411 = arith.muli %select_n3A_410, %convert_element_type3A_8 : vector<16xi32>
    %sub3A_412 = arith.subi %sub3A_401, %mul3A_411 : vector<16xi32>
    %ge3A_413 = arith.cmpi sge, %sub3A_412, %convert_element_type3A_8 : vector<16xi32>
    %add3A_414 = arith.constant 1 : i32
    %add3A_415 = vector.broadcast %add3A_414 : i32 to vector<16xi32>
    %add3A_416 = arith.addi %select_n3A_410, %add3A_415 : vector<16xi32>
    %select_n3A_417 = arith.select %ge3A_413, %add3A_416, %select_n3A_410 : vector<16xi1>, vector<16xi32>
    %mul3A_418 = arith.muli %select_n3A_417, %convert_element_type3A_8 : vector<16xi32>
    %sub3A_419 = arith.subi %sub3A_401, %mul3A_418 : vector<16xi32>
    %max3A_420 = arith.constant 0 : i32
    %max3A_421 = vector.broadcast %max3A_420 : i32 to vector<16xi32>
    %max3A_422 = arith.maxsi %select_n3A_417, %max3A_421 : vector<16xi32>
    %min3A_423 = arith.constant 63 : i32
    %min3A_424 = vector.broadcast %min3A_423 : i32 to vector<16xi32>
    %min3A_425 = arith.minsi %max3A_422, %min3A_424 : vector<16xi32>
    %max3A_426 = arith.constant 0 : i32
    %max3A_427 = vector.broadcast %max3A_426 : i32 to vector<16xi32>
    %max3A_428 = arith.maxsi %sub3A_419, %max3A_427 : vector<16xi32>
    %min3A_429 = arith.constant 63 : i32
    %min3A_430 = vector.broadcast %min3A_429 : i32 to vector<16xi32>
    %min3A_431 = arith.minsi %max3A_428, %min3A_430 : vector<16xi32>
    %mul3A_432 = arith.constant 64 : i32
    %mul3A_433 = vector.broadcast %mul3A_432 : i32 to vector<16xi32>
    %mul3A_434 = arith.muli %min3A_425, %mul3A_433 : vector<16xi32>
    %add3A_435 = arith.addi %mul3A_434, %min3A_431 : vector<16xi32>
    %dma_start3A_436 = arith.constant 96 : i32
    %dma_start3A_437 = arith.constant 0 : i32
    %dma_start3A_438 = tpu.memref_slice %arg6[%dma_start3A_436, %dma_start3A_437] : memref<128x256xf32, #tpu.memory_space<vmem>> -> memref<16x256xf32, #tpu.memory_space<vmem>>
    %dma_start3A_439 = arith.constant 0 : i32
    %dma_start3A_440 = arith.constant 0 : i32
    %dma_start3A_441 = tpu.memref_slice %arg2[%dma_start3A_439, %dma_start3A_440] : memref<4096x256xf32, #tpu.memory_space<hbm>> -> memref<4096x256xf32, #tpu.memory_space<hbm>>
    tpu.enqueue_indirect_dma source(%dma_start3A_441 : memref<4096x256xf32, #tpu.memory_space<hbm>>) target(%dma_start3A_438 : memref<16x256xf32, #tpu.memory_space<vmem>>) offsets(%add3A_435 : vector<16xi32>) semaphore(%arg13 : memref<!tpu.dma_semaphore, #tpu.memory_space<semaphore_mem>>)
    %add3A_442 = arith.constant 112 : i32
    %add3A_443 = arith.addi %mul3A_2, %add3A_442 : i32
    %add3A_444 = vector.broadcast %add3A_443 : i32 to vector<16xi32>
    %add3A_445 = arith.addi %add3A_444, %iota3A : vector<16xi32>
    %convert_element_type3A_446 = arith.sitofp %add3A_445 : vector<16xi32> to vector<16xf32>
    %mul3A_447 = arith.mulf %convert_element_type3A_446, %get3A_11 : vector<16xf32>
    %convert_element_type3A_448 = arith.fptosi %mul3A_447 : vector<16xf32> to vector<16xi32>
    %mul3A_449 = arith.muli %convert_element_type3A_448, %convert_element_type3A : vector<16xi32>
    %gt3A_450 = arith.cmpi sgt, %mul3A_449, %add3A_445 : vector<16xi32>
    %sub3A_451 = arith.constant 1 : i32
    %sub3A_452 = vector.broadcast %sub3A_451 : i32 to vector<16xi32>
    %sub3A_453 = arith.subi %convert_element_type3A_448, %sub3A_452 : vector<16xi32>
    %select_n3A_454 = arith.select %gt3A_450, %sub3A_453, %convert_element_type3A_448 : vector<16xi1>, vector<16xi32>
    %mul3A_455 = arith.muli %select_n3A_454, %convert_element_type3A : vector<16xi32>
    %sub3A_456 = arith.subi %add3A_445, %mul3A_455 : vector<16xi32>
    %ge3A_457 = arith.cmpi sge, %sub3A_456, %convert_element_type3A : vector<16xi32>
    %add3A_458 = arith.constant 1 : i32
    %add3A_459 = vector.broadcast %add3A_458 : i32 to vector<16xi32>
    %add3A_460 = arith.addi %select_n3A_454, %add3A_459 : vector<16xi32>
    %select_n3A_461 = arith.select %ge3A_457, %add3A_460, %select_n3A_454 : vector<16xi1>, vector<16xi32>
    %mul3A_462 = arith.muli %select_n3A_461, %convert_element_type3A : vector<16xi32>
    %sub3A_463 = arith.subi %add3A_445, %mul3A_462 : vector<16xi32>
    %convert_element_type3A_464 = arith.sitofp %sub3A_463 : vector<16xi32> to vector<16xf32>
    %mul3A_465 = arith.mulf %convert_element_type3A_464, %get3A_14 : vector<16xf32>
    %convert_element_type3A_466 = arith.fptosi %mul3A_465 : vector<16xf32> to vector<16xi32>
    %mul3A_467 = arith.muli %convert_element_type3A_466, %convert_element_type3A_8 : vector<16xi32>
    %gt3A_468 = arith.cmpi sgt, %mul3A_467, %sub3A_463 : vector<16xi32>
    %sub3A_469 = arith.constant 1 : i32
    %sub3A_470 = vector.broadcast %sub3A_469 : i32 to vector<16xi32>
    %sub3A_471 = arith.subi %convert_element_type3A_466, %sub3A_470 : vector<16xi32>
    %select_n3A_472 = arith.select %gt3A_468, %sub3A_471, %convert_element_type3A_466 : vector<16xi1>, vector<16xi32>
    %mul3A_473 = arith.muli %select_n3A_472, %convert_element_type3A_8 : vector<16xi32>
    %sub3A_474 = arith.subi %sub3A_463, %mul3A_473 : vector<16xi32>
    %ge3A_475 = arith.cmpi sge, %sub3A_474, %convert_element_type3A_8 : vector<16xi32>
    %add3A_476 = arith.constant 1 : i32
    %add3A_477 = vector.broadcast %add3A_476 : i32 to vector<16xi32>
    %add3A_478 = arith.addi %select_n3A_472, %add3A_477 : vector<16xi32>
    %select_n3A_479 = arith.select %ge3A_475, %add3A_478, %select_n3A_472 : vector<16xi1>, vector<16xi32>
    %mul3A_480 = arith.muli %select_n3A_479, %convert_element_type3A_8 : vector<16xi32>
    %sub3A_481 = arith.subi %sub3A_463, %mul3A_480 : vector<16xi32>
    %max3A_482 = arith.constant 0 : i32
    %max3A_483 = vector.broadcast %max3A_482 : i32 to vector<16xi32>
    %max3A_484 = arith.maxsi %select_n3A_479, %max3A_483 : vector<16xi32>
    %min3A_485 = arith.constant 63 : i32
    %min3A_486 = vector.broadcast %min3A_485 : i32 to vector<16xi32>
    %min3A_487 = arith.minsi %max3A_484, %min3A_486 : vector<16xi32>
    %max3A_488 = arith.constant 0 : i32
    %max3A_489 = vector.broadcast %max3A_488 : i32 to vector<16xi32>
    %max3A_490 = arith.maxsi %sub3A_481, %max3A_489 : vector<16xi32>
    %min3A_491 = arith.constant 63 : i32
    %min3A_492 = vector.broadcast %min3A_491 : i32 to vector<16xi32>
    %min3A_493 = arith.minsi %max3A_490, %min3A_492 : vector<16xi32>
    %mul3A_494 = arith.constant 64 : i32
    %mul3A_495 = vector.broadcast %mul3A_494 : i32 to vector<16xi32>
    %mul3A_496 = arith.muli %min3A_487, %mul3A_495 : vector<16xi32>
    %add3A_497 = arith.addi %mul3A_496, %min3A_493 : vector<16xi32>
    %dma_start3A_498 = arith.constant 112 : i32
    %dma_start3A_499 = arith.constant 0 : i32
    %dma_start3A_500 = tpu.memref_slice %arg6[%dma_start3A_498, %dma_start3A_499] : memref<128x256xf32, #tpu.memory_space<vmem>> -> memref<16x256xf32, #tpu.memory_space<vmem>>
    %dma_start3A_501 = arith.constant 0 : i32
    %dma_start3A_502 = arith.constant 0 : i32
    %dma_start3A_503 = tpu.memref_slice %arg2[%dma_start3A_501, %dma_start3A_502] : memref<4096x256xf32, #tpu.memory_space<hbm>> -> memref<4096x256xf32, #tpu.memory_space<hbm>>
    tpu.enqueue_indirect_dma source(%dma_start3A_503 : memref<4096x256xf32, #tpu.memory_space<hbm>>) target(%dma_start3A_500 : memref<16x256xf32, #tpu.memory_space<vmem>>) offsets(%add3A_497 : vector<16xi32>) semaphore(%arg14 : memref<!tpu.dma_semaphore, #tpu.memory_space<semaphore_mem>>)
    %dma_wait3A = arith.constant 0 : i32
    %dma_wait3A_504 = arith.constant 0 : i32
    %dma_wait3A_505 = tpu.memref_slice %arg6[%dma_wait3A, %dma_wait3A_504] : memref<128x256xf32, #tpu.memory_space<vmem>> -> memref<16x256xf32, #tpu.memory_space<vmem>>
    %dma_wait3A_506 = arith.constant 0 : i32
    %dma_wait3A_507 = arith.constant 0 : i32
    %dma_wait3A_508 = tpu.memref_slice %arg2[%dma_wait3A_506, %dma_wait3A_507] : memref<4096x256xf32, #tpu.memory_space<hbm>> -> memref<4096x256xf32, #tpu.memory_space<hbm>>
    tpu.wait_indirect_dma semaphore(%arg7 : memref<!tpu.dma_semaphore, #tpu.memory_space<semaphore_mem>>) src(%dma_wait3A_508 : memref<4096x256xf32, #tpu.memory_space<hbm>>) dst(%dma_wait3A_505 : memref<16x256xf32, #tpu.memory_space<vmem>>)
    %add3A_509 = arith.constant 0 : i32
    %add3A_510 = arith.addi %mul3A_2, %add3A_509 : i32
    %dma_start3A_511 = arith.constant 0 : i32
    %dma_start3A_512 = arith.constant 0 : i32
    %dma_start3A_513 = tpu.memref_slice %arg6[%dma_start3A_511, %dma_start3A_512] : memref<128x256xf32, #tpu.memory_space<vmem>> -> memref<16x256xf32, #tpu.memory_space<vmem>>
    %dma_start3A_514 = arith.constant 0 : i32
    %dma_start3A_515 = tpu.memref_slice %arg4[%add3A_510, %dma_start3A_514] : memref<4096x256xf32, #tpu.memory_space<hbm>> -> memref<16x256xf32, #tpu.memory_space<hbm>>
    %dma_start3A_516 = arith.constant 0 : i32
    %dma_start3A_517 = tpu.memref_slice %arg4[%add3A_510, %dma_start3A_516] : memref<4096x256xf32, #tpu.memory_space<hbm>> -> memref<16x256xf32, #tpu.memory_space<hbm>>
    %dma_start3A_518 = arith.constant 0 : i32
    %dma_start3A_519 = arith.constant 0 : i32
    %dma_start3A_520 = tpu.memref_slice %arg6[%dma_start3A_518, %dma_start3A_519] : memref<128x256xf32, #tpu.memory_space<vmem>> -> memref<16x256xf32, #tpu.memory_space<vmem>>
    tpu.enqueue_dma source(%dma_start3A_520 : memref<16x256xf32, #tpu.memory_space<vmem>>) target(%dma_start3A_517 : memref<16x256xf32, #tpu.memory_space<hbm>>) target_semaphore(%arg15 : memref<!tpu.dma_semaphore, #tpu.memory_space<semaphore_mem>>)
    %dma_wait3A_521 = arith.constant 16 : i32
    %dma_wait3A_522 = arith.constant 0 : i32
    %dma_wait3A_523 = tpu.memref_slice %arg6[%dma_wait3A_521, %dma_wait3A_522] : memref<128x256xf32, #tpu.memory_space<vmem>> -> memref<16x256xf32, #tpu.memory_space<vmem>>
    %dma_wait3A_524 = arith.constant 0 : i32
    %dma_wait3A_525 = arith.constant 0 : i32
    %dma_wait3A_526 = tpu.memref_slice %arg2[%dma_wait3A_524, %dma_wait3A_525] : memref<4096x256xf32, #tpu.memory_space<hbm>> -> memref<4096x256xf32, #tpu.memory_space<hbm>>
    tpu.wait_indirect_dma semaphore(%arg8 : memref<!tpu.dma_semaphore, #tpu.memory_space<semaphore_mem>>) src(%dma_wait3A_526 : memref<4096x256xf32, #tpu.memory_space<hbm>>) dst(%dma_wait3A_523 : memref<16x256xf32, #tpu.memory_space<vmem>>)
    %add3A_527 = arith.constant 16 : i32
    %add3A_528 = arith.addi %mul3A_2, %add3A_527 : i32
    %dma_start3A_529 = arith.constant 16 : i32
    %dma_start3A_530 = arith.constant 0 : i32
    %dma_start3A_531 = tpu.memref_slice %arg6[%dma_start3A_529, %dma_start3A_530] : memref<128x256xf32, #tpu.memory_space<vmem>> -> memref<16x256xf32, #tpu.memory_space<vmem>>
    %dma_start3A_532 = arith.constant 0 : i32
    %dma_start3A_533 = tpu.memref_slice %arg4[%add3A_528, %dma_start3A_532] : memref<4096x256xf32, #tpu.memory_space<hbm>> -> memref<16x256xf32, #tpu.memory_space<hbm>>
    %dma_start3A_534 = arith.constant 0 : i32
    %dma_start3A_535 = tpu.memref_slice %arg4[%add3A_528, %dma_start3A_534] : memref<4096x256xf32, #tpu.memory_space<hbm>> -> memref<16x256xf32, #tpu.memory_space<hbm>>
    %dma_start3A_536 = arith.constant 16 : i32
    %dma_start3A_537 = arith.constant 0 : i32
    %dma_start3A_538 = tpu.memref_slice %arg6[%dma_start3A_536, %dma_start3A_537] : memref<128x256xf32, #tpu.memory_space<vmem>> -> memref<16x256xf32, #tpu.memory_space<vmem>>
    tpu.enqueue_dma source(%dma_start3A_538 : memref<16x256xf32, #tpu.memory_space<vmem>>) target(%dma_start3A_535 : memref<16x256xf32, #tpu.memory_space<hbm>>) target_semaphore(%arg15 : memref<!tpu.dma_semaphore, #tpu.memory_space<semaphore_mem>>)
    %dma_wait3A_539 = arith.constant 32 : i32
    %dma_wait3A_540 = arith.constant 0 : i32
    %dma_wait3A_541 = tpu.memref_slice %arg6[%dma_wait3A_539, %dma_wait3A_540] : memref<128x256xf32, #tpu.memory_space<vmem>> -> memref<16x256xf32, #tpu.memory_space<vmem>>
    %dma_wait3A_542 = arith.constant 0 : i32
    %dma_wait3A_543 = arith.constant 0 : i32
    %dma_wait3A_544 = tpu.memref_slice %arg2[%dma_wait3A_542, %dma_wait3A_543] : memref<4096x256xf32, #tpu.memory_space<hbm>> -> memref<4096x256xf32, #tpu.memory_space<hbm>>
    tpu.wait_indirect_dma semaphore(%arg9 : memref<!tpu.dma_semaphore, #tpu.memory_space<semaphore_mem>>) src(%dma_wait3A_544 : memref<4096x256xf32, #tpu.memory_space<hbm>>) dst(%dma_wait3A_541 : memref<16x256xf32, #tpu.memory_space<vmem>>)
    %add3A_545 = arith.constant 32 : i32
    %add3A_546 = arith.addi %mul3A_2, %add3A_545 : i32
    %dma_start3A_547 = arith.constant 32 : i32
    %dma_start3A_548 = arith.constant 0 : i32
    %dma_start3A_549 = tpu.memref_slice %arg6[%dma_start3A_547, %dma_start3A_548] : memref<128x256xf32, #tpu.memory_space<vmem>> -> memref<16x256xf32, #tpu.memory_space<vmem>>
    %dma_start3A_550 = arith.constant 0 : i32
    %dma_start3A_551 = tpu.memref_slice %arg4[%add3A_546, %dma_start3A_550] : memref<4096x256xf32, #tpu.memory_space<hbm>> -> memref<16x256xf32, #tpu.memory_space<hbm>>
    %dma_start3A_552 = arith.constant 0 : i32
    %dma_start3A_553 = tpu.memref_slice %arg4[%add3A_546, %dma_start3A_552] : memref<4096x256xf32, #tpu.memory_space<hbm>> -> memref<16x256xf32, #tpu.memory_space<hbm>>
    %dma_start3A_554 = arith.constant 32 : i32
    %dma_start3A_555 = arith.constant 0 : i32
    %dma_start3A_556 = tpu.memref_slice %arg6[%dma_start3A_554, %dma_start3A_555] : memref<128x256xf32, #tpu.memory_space<vmem>> -> memref<16x256xf32, #tpu.memory_space<vmem>>
    tpu.enqueue_dma source(%dma_start3A_556 : memref<16x256xf32, #tpu.memory_space<vmem>>) target(%dma_start3A_553 : memref<16x256xf32, #tpu.memory_space<hbm>>) target_semaphore(%arg15 : memref<!tpu.dma_semaphore, #tpu.memory_space<semaphore_mem>>)
    %dma_wait3A_557 = arith.constant 48 : i32
    %dma_wait3A_558 = arith.constant 0 : i32
    %dma_wait3A_559 = tpu.memref_slice %arg6[%dma_wait3A_557, %dma_wait3A_558] : memref<128x256xf32, #tpu.memory_space<vmem>> -> memref<16x256xf32, #tpu.memory_space<vmem>>
    %dma_wait3A_560 = arith.constant 0 : i32
    %dma_wait3A_561 = arith.constant 0 : i32
    %dma_wait3A_562 = tpu.memref_slice %arg2[%dma_wait3A_560, %dma_wait3A_561] : memref<4096x256xf32, #tpu.memory_space<hbm>> -> memref<4096x256xf32, #tpu.memory_space<hbm>>
    tpu.wait_indirect_dma semaphore(%arg10 : memref<!tpu.dma_semaphore, #tpu.memory_space<semaphore_mem>>) src(%dma_wait3A_562 : memref<4096x256xf32, #tpu.memory_space<hbm>>) dst(%dma_wait3A_559 : memref<16x256xf32, #tpu.memory_space<vmem>>)
    %add3A_563 = arith.constant 48 : i32
    %add3A_564 = arith.addi %mul3A_2, %add3A_563 : i32
    %dma_start3A_565 = arith.constant 48 : i32
    %dma_start3A_566 = arith.constant 0 : i32
    %dma_start3A_567 = tpu.memref_slice %arg6[%dma_start3A_565, %dma_start3A_566] : memref<128x256xf32, #tpu.memory_space<vmem>> -> memref<16x256xf32, #tpu.memory_space<vmem>>
    %dma_start3A_568 = arith.constant 0 : i32
    %dma_start3A_569 = tpu.memref_slice %arg4[%add3A_564, %dma_start3A_568] : memref<4096x256xf32, #tpu.memory_space<hbm>> -> memref<16x256xf32, #tpu.memory_space<hbm>>
    %dma_start3A_570 = arith.constant 0 : i32
    %dma_start3A_571 = tpu.memref_slice %arg4[%add3A_564, %dma_start3A_570] : memref<4096x256xf32, #tpu.memory_space<hbm>> -> memref<16x256xf32, #tpu.memory_space<hbm>>
    %dma_start3A_572 = arith.constant 48 : i32
    %dma_start3A_573 = arith.constant 0 : i32
    %dma_start3A_574 = tpu.memref_slice %arg6[%dma_start3A_572, %dma_start3A_573] : memref<128x256xf32, #tpu.memory_space<vmem>> -> memref<16x256xf32, #tpu.memory_space<vmem>>
    tpu.enqueue_dma source(%dma_start3A_574 : memref<16x256xf32, #tpu.memory_space<vmem>>) target(%dma_start3A_571 : memref<16x256xf32, #tpu.memory_space<hbm>>) target_semaphore(%arg15 : memref<!tpu.dma_semaphore, #tpu.memory_space<semaphore_mem>>)
    %dma_wait3A_575 = arith.constant 64 : i32
    %dma_wait3A_576 = arith.constant 0 : i32
    %dma_wait3A_577 = tpu.memref_slice %arg6[%dma_wait3A_575, %dma_wait3A_576] : memref<128x256xf32, #tpu.memory_space<vmem>> -> memref<16x256xf32, #tpu.memory_space<vmem>>
    %dma_wait3A_578 = arith.constant 0 : i32
    %dma_wait3A_579 = arith.constant 0 : i32
    %dma_wait3A_580 = tpu.memref_slice %arg2[%dma_wait3A_578, %dma_wait3A_579] : memref<4096x256xf32, #tpu.memory_space<hbm>> -> memref<4096x256xf32, #tpu.memory_space<hbm>>
    tpu.wait_indirect_dma semaphore(%arg11 : memref<!tpu.dma_semaphore, #tpu.memory_space<semaphore_mem>>) src(%dma_wait3A_580 : memref<4096x256xf32, #tpu.memory_space<hbm>>) dst(%dma_wait3A_577 : memref<16x256xf32, #tpu.memory_space<vmem>>)
    %add3A_581 = arith.constant 64 : i32
    %add3A_582 = arith.addi %mul3A_2, %add3A_581 : i32
    %dma_start3A_583 = arith.constant 64 : i32
    %dma_start3A_584 = arith.constant 0 : i32
    %dma_start3A_585 = tpu.memref_slice %arg6[%dma_start3A_583, %dma_start3A_584] : memref<128x256xf32, #tpu.memory_space<vmem>> -> memref<16x256xf32, #tpu.memory_space<vmem>>
    %dma_start3A_586 = arith.constant 0 : i32
    %dma_start3A_587 = tpu.memref_slice %arg4[%add3A_582, %dma_start3A_586] : memref<4096x256xf32, #tpu.memory_space<hbm>> -> memref<16x256xf32, #tpu.memory_space<hbm>>
    %dma_start3A_588 = arith.constant 0 : i32
    %dma_start3A_589 = tpu.memref_slice %arg4[%add3A_582, %dma_start3A_588] : memref<4096x256xf32, #tpu.memory_space<hbm>> -> memref<16x256xf32, #tpu.memory_space<hbm>>
    %dma_start3A_590 = arith.constant 64 : i32
    %dma_start3A_591 = arith.constant 0 : i32
    %dma_start3A_592 = tpu.memref_slice %arg6[%dma_start3A_590, %dma_start3A_591] : memref<128x256xf32, #tpu.memory_space<vmem>> -> memref<16x256xf32, #tpu.memory_space<vmem>>
    tpu.enqueue_dma source(%dma_start3A_592 : memref<16x256xf32, #tpu.memory_space<vmem>>) target(%dma_start3A_589 : memref<16x256xf32, #tpu.memory_space<hbm>>) target_semaphore(%arg15 : memref<!tpu.dma_semaphore, #tpu.memory_space<semaphore_mem>>)
    %dma_wait3A_593 = arith.constant 80 : i32
    %dma_wait3A_594 = arith.constant 0 : i32
    %dma_wait3A_595 = tpu.memref_slice %arg6[%dma_wait3A_593, %dma_wait3A_594] : memref<128x256xf32, #tpu.memory_space<vmem>> -> memref<16x256xf32, #tpu.memory_space<vmem>>
    %dma_wait3A_596 = arith.constant 0 : i32
    %dma_wait3A_597 = arith.constant 0 : i32
    %dma_wait3A_598 = tpu.memref_slice %arg2[%dma_wait3A_596, %dma_wait3A_597] : memref<4096x256xf32, #tpu.memory_space<hbm>> -> memref<4096x256xf32, #tpu.memory_space<hbm>>
    tpu.wait_indirect_dma semaphore(%arg12 : memref<!tpu.dma_semaphore, #tpu.memory_space<semaphore_mem>>) src(%dma_wait3A_598 : memref<4096x256xf32, #tpu.memory_space<hbm>>) dst(%dma_wait3A_595 : memref<16x256xf32, #tpu.memory_space<vmem>>)
    %add3A_599 = arith.constant 80 : i32
    %add3A_600 = arith.addi %mul3A_2, %add3A_599 : i32
    %dma_start3A_601 = arith.constant 80 : i32
    %dma_start3A_602 = arith.constant 0 : i32
    %dma_start3A_603 = tpu.memref_slice %arg6[%dma_start3A_601, %dma_start3A_602] : memref<128x256xf32, #tpu.memory_space<vmem>> -> memref<16x256xf32, #tpu.memory_space<vmem>>
    %dma_start3A_604 = arith.constant 0 : i32
    %dma_start3A_605 = tpu.memref_slice %arg4[%add3A_600, %dma_start3A_604] : memref<4096x256xf32, #tpu.memory_space<hbm>> -> memref<16x256xf32, #tpu.memory_space<hbm>>
    %dma_start3A_606 = arith.constant 0 : i32
    %dma_start3A_607 = tpu.memref_slice %arg4[%add3A_600, %dma_start3A_606] : memref<4096x256xf32, #tpu.memory_space<hbm>> -> memref<16x256xf32, #tpu.memory_space<hbm>>
    %dma_start3A_608 = arith.constant 80 : i32
    %dma_start3A_609 = arith.constant 0 : i32
    %dma_start3A_610 = tpu.memref_slice %arg6[%dma_start3A_608, %dma_start3A_609] : memref<128x256xf32, #tpu.memory_space<vmem>> -> memref<16x256xf32, #tpu.memory_space<vmem>>
    tpu.enqueue_dma source(%dma_start3A_610 : memref<16x256xf32, #tpu.memory_space<vmem>>) target(%dma_start3A_607 : memref<16x256xf32, #tpu.memory_space<hbm>>) target_semaphore(%arg15 : memref<!tpu.dma_semaphore, #tpu.memory_space<semaphore_mem>>)
    %dma_wait3A_611 = arith.constant 96 : i32
    %dma_wait3A_612 = arith.constant 0 : i32
    %dma_wait3A_613 = tpu.memref_slice %arg6[%dma_wait3A_611, %dma_wait3A_612] : memref<128x256xf32, #tpu.memory_space<vmem>> -> memref<16x256xf32, #tpu.memory_space<vmem>>
    %dma_wait3A_614 = arith.constant 0 : i32
    %dma_wait3A_615 = arith.constant 0 : i32
    %dma_wait3A_616 = tpu.memref_slice %arg2[%dma_wait3A_614, %dma_wait3A_615] : memref<4096x256xf32, #tpu.memory_space<hbm>> -> memref<4096x256xf32, #tpu.memory_space<hbm>>
    tpu.wait_indirect_dma semaphore(%arg13 : memref<!tpu.dma_semaphore, #tpu.memory_space<semaphore_mem>>) src(%dma_wait3A_616 : memref<4096x256xf32, #tpu.memory_space<hbm>>) dst(%dma_wait3A_613 : memref<16x256xf32, #tpu.memory_space<vmem>>)
    %add3A_617 = arith.constant 96 : i32
    %add3A_618 = arith.addi %mul3A_2, %add3A_617 : i32
    %dma_start3A_619 = arith.constant 96 : i32
    %dma_start3A_620 = arith.constant 0 : i32
    %dma_start3A_621 = tpu.memref_slice %arg6[%dma_start3A_619, %dma_start3A_620] : memref<128x256xf32, #tpu.memory_space<vmem>> -> memref<16x256xf32, #tpu.memory_space<vmem>>
    %dma_start3A_622 = arith.constant 0 : i32
    %dma_start3A_623 = tpu.memref_slice %arg4[%add3A_618, %dma_start3A_622] : memref<4096x256xf32, #tpu.memory_space<hbm>> -> memref<16x256xf32, #tpu.memory_space<hbm>>
    %dma_start3A_624 = arith.constant 0 : i32
    %dma_start3A_625 = tpu.memref_slice %arg4[%add3A_618, %dma_start3A_624] : memref<4096x256xf32, #tpu.memory_space<hbm>> -> memref<16x256xf32, #tpu.memory_space<hbm>>
    %dma_start3A_626 = arith.constant 96 : i32
    %dma_start3A_627 = arith.constant 0 : i32
    %dma_start3A_628 = tpu.memref_slice %arg6[%dma_start3A_626, %dma_start3A_627] : memref<128x256xf32, #tpu.memory_space<vmem>> -> memref<16x256xf32, #tpu.memory_space<vmem>>
    tpu.enqueue_dma source(%dma_start3A_628 : memref<16x256xf32, #tpu.memory_space<vmem>>) target(%dma_start3A_625 : memref<16x256xf32, #tpu.memory_space<hbm>>) target_semaphore(%arg15 : memref<!tpu.dma_semaphore, #tpu.memory_space<semaphore_mem>>)
    %dma_wait3A_629 = arith.constant 112 : i32
    %dma_wait3A_630 = arith.constant 0 : i32
    %dma_wait3A_631 = tpu.memref_slice %arg6[%dma_wait3A_629, %dma_wait3A_630] : memref<128x256xf32, #tpu.memory_space<vmem>> -> memref<16x256xf32, #tpu.memory_space<vmem>>
    %dma_wait3A_632 = arith.constant 0 : i32
    %dma_wait3A_633 = arith.constant 0 : i32
    %dma_wait3A_634 = tpu.memref_slice %arg2[%dma_wait3A_632, %dma_wait3A_633] : memref<4096x256xf32, #tpu.memory_space<hbm>> -> memref<4096x256xf32, #tpu.memory_space<hbm>>
    tpu.wait_indirect_dma semaphore(%arg14 : memref<!tpu.dma_semaphore, #tpu.memory_space<semaphore_mem>>) src(%dma_wait3A_634 : memref<4096x256xf32, #tpu.memory_space<hbm>>) dst(%dma_wait3A_631 : memref<16x256xf32, #tpu.memory_space<vmem>>)
    %add3A_635 = arith.constant 112 : i32
    %add3A_636 = arith.addi %mul3A_2, %add3A_635 : i32
    %dma_start3A_637 = arith.constant 112 : i32
    %dma_start3A_638 = arith.constant 0 : i32
    %dma_start3A_639 = tpu.memref_slice %arg6[%dma_start3A_637, %dma_start3A_638] : memref<128x256xf32, #tpu.memory_space<vmem>> -> memref<16x256xf32, #tpu.memory_space<vmem>>
    %dma_start3A_640 = arith.constant 0 : i32
    %dma_start3A_641 = tpu.memref_slice %arg4[%add3A_636, %dma_start3A_640] : memref<4096x256xf32, #tpu.memory_space<hbm>> -> memref<16x256xf32, #tpu.memory_space<hbm>>
    %dma_start3A_642 = arith.constant 0 : i32
    %dma_start3A_643 = tpu.memref_slice %arg4[%add3A_636, %dma_start3A_642] : memref<4096x256xf32, #tpu.memory_space<hbm>> -> memref<16x256xf32, #tpu.memory_space<hbm>>
    %dma_start3A_644 = arith.constant 112 : i32
    %dma_start3A_645 = arith.constant 0 : i32
    %dma_start3A_646 = tpu.memref_slice %arg6[%dma_start3A_644, %dma_start3A_645] : memref<128x256xf32, #tpu.memory_space<vmem>> -> memref<16x256xf32, #tpu.memory_space<vmem>>
    tpu.enqueue_dma source(%dma_start3A_646 : memref<16x256xf32, #tpu.memory_space<vmem>>) target(%dma_start3A_643 : memref<16x256xf32, #tpu.memory_space<hbm>>) target_semaphore(%arg15 : memref<!tpu.dma_semaphore, #tpu.memory_space<semaphore_mem>>)
    %dma_wait3A_647 = arith.constant 0 : i32
    %dma_wait3A_648 = tpu.memref_slice %arg4[%mul3A_2, %dma_wait3A_647] : memref<4096x256xf32, #tpu.memory_space<hbm>> -> memref<128x256xf32, #tpu.memory_space<hbm>>
    %dma_wait3A_649 = arith.constant 0 : i32
    %dma_wait3A_650 = tpu.memref_slice %arg4[%mul3A_2, %dma_wait3A_649] : memref<4096x256xf32, #tpu.memory_space<hbm>> -> memref<128x256xf32, #tpu.memory_space<hbm>>
    tpu.wait_dma2 semaphore(%arg15 : memref<!tpu.dma_semaphore, #tpu.memory_space<semaphore_mem>>) src(%arg6 : memref<128x256xf32, #tpu.memory_space<vmem>>) dst(%dma_wait3A_650 : memref<128x256xf32, #tpu.memory_space<hbm>>)
    return
  }
}

</mosaic_0001>

<sc_bundles>
// kernel: kernel.3.cloned.1.call-start
scs
__scs_entry_jumppad:
0x0: {  	(pc) =	sbr.rel $0x88, $3  }
0x1: {  	(tag) =	ssettag $0x0;
	lr =	simm.s32 $0x1  }
0x2: {  	[smem:$0x3F9E] =	sst lr;
	_ =	strace $0xD0000000  }
0x3: {  	_ = 	snop  }
0x4: {  	_ = 	snop  }
0x5: {  	_ = 	snop  }
0x6: {  	_ = 	snop  }
0x7: {  	_ = 	snop  }
__scs_overlays_trampoline_lowered:
0x8: {  	[smem:$0x3FAD] =	sst s0  }
0x9: {  	[smem:$0x3FAE] =	sst s1  }
0xa: {  	[smem:$0x3FAF] =	sst s2  }
0xb: {  	[smem:$0x3FB0] =	sst s3  }
0xc: {  	[smem:$0x3FB1] =	sst s4  }
0xd: {  	[smem:$0x3FB2] =	sst s5  }
0xe: {  	[smem:$0x3FB3] =	sst s6  }
0xf: {  	[smem:$0x3FB4] =	sst s7  }
0x10: {  	[smem:$0x3FB5] =	sst s8  }
0x11: {  	[smem:$0x3FB6] =	sst s9;
	s0 =	simm.s32 @!p0 $0x0  }
0x12: {  	s1 =	sld [smem:$0x3F9C];
	s0 =	simm.s32 @p0 $0x1  }
0x13: {  	[smem:$0x3FB7] =	sst s0;
	s0 =	simm.s32 @!p1 $0x0  }
0x14: {  	s2 =	sld [smem:$0x3F9B];
	s0 =	simm.s32 @p1 $0x1  }
0x15: {  	[smem:$0x3FB8] =	sst s0;
	s0 =	simm.s32 @!p2 $0x0  }
0x16: {  	s3 =	sld [smem:$0x3FDB];
	s0 =	simm.s32 @p2 $0x1  }
0x17: {  	s4 =	simm.s32 $0x1BF5;
	[smem:$0x3FBA] =	sst s0  }
0x18: {  	s0 =	sld [smem:$0x3F9D];
	_ =	swait.ge [sflag:s4], $0x0  }
0x19: {  	s7 =	sld [smem:$0x3F9E]  }
0x1a: {  	s8 =	sadd.s32 $0xFFFFE003, lr  }
0x1b: {  	s9 =	sadd.s32 $0xFFFFFEF7, lr;
	s5 =	simm.s32 $0xFFFFFFFF;
	p2 =	slt.u32 s8, $0xFFFFF086  }
0x1c: {  	p1 =	slt.u32 s9, $0xF7A;
	s5 =	simm.s32 @!p2 $0x0  }
0x1d: {  	s5 =	simm.s32 @p1 $0x1;
	p0 =	seq.s32 s7, s2  }
0x1e: {  	s7 =	smul.u32 @!p0 $0xF7A, s2;
	p2 =	seq.s32 @!p0 s5, $0x0  }
0x1f: {  	s9 =	smul.u32 $0xF7A, s1;
	s8 =	simm.s32 @!p0 $0x1BF5;
	p2 =	por !p2, p0  }
0x20: {  	[sflag:s8] =	ssyncset.s32 @!p0 $0xFFFFF086;
	s6 =	sadd.s32 @!p0 s3, s7;
	s7 =	simm.s32 @!p0 $0x108  }
0x21: {  	s3 =	sadd.s32 s3, s9;
	s6 =	sadd.s32 @!p0 $0x88, s6;
	s7 =	simm.s32 @p2 $0x1082  }
0x22: {  	[simem:s7], [sflag:s8] =	dma.local @!p0 [hbm:s6], $0xF7A  }
0x23: {  	s9 =	sor.u32 $0xD0000000, s2;
	s6 =	simm.s32 $0x108;
	_ =	swait.ge @!p0 [sflag:s8], $0x0  }
0x24: {  	s3 =	sadd.s32 $0x88, s3;
	s6 =	simm.s32 @!p1 $0x1082;
	[sflag:s4] =	ssyncset.s32 $0xFFFFF086  }
0x25: {  	[simem:s6], [sflag:s4] =	dma.local [hbm:s3], $0xF7A  }
0x26: {  	[smem:$0x3F9E] =	sst s1;
	(tag) =	ssettag s2;
	_ =	strace s9  }
0x27: {  	s1 =	sld [smem:$0x3FAE]  }
0x28: {  	s2 =	sld [smem:$0x3FAF]  }
0x29: {  	s4 =	sld [smem:$0x3FB1]  }
0x2a: {  	p0 =	seq.s32 s5, $0x0;
	s5 =	sld [smem:$0x3FB2]  }
0x2b: {  	s6 =	sld [smem:$0x3FB3]  }
0x2c: {  	s7 =	sld [smem:$0x3FB4]  }
0x2d: {  	s3 =	simm.s32 $0x108;
	s8 =	sld [smem:$0x3FB5]  }
0x2e: {  	s3 =	simm.s32 @!p0 $0x1082;
	s9 =	sld [smem:$0x3FB6]  }
0x2f: {  	lr =	sadd.s32 s0, s3;
	s0 =	sld [smem:$0x3FAD]  }
0x30: {  	s3 =	sld [smem:$0x3FB0]  }
0x31: {  	[smem:$0x3FB9] =	sst s10  }
0x32: {  	s10 =	sld [smem:$0x3FB7];
	_ =	sdelay $0x3  }
0x33: {  	p0 =	seq.s32 s10, $0x1;
	s10 =	sld [smem:$0x3FB9];
	_ =	sdelay $0x3  }
0x34: {  	[smem:$0x3FB9] =	sst s10  }
0x35: {  	s10 =	sld [smem:$0x3FB8];
	_ =	sdelay $0x3  }
0x36: {  	p1 =	seq.s32 s10, $0x1;
	s10 =	sld [smem:$0x3FB9];
	_ =	sdelay $0x3  }
0x37: {  	[smem:$0x3FB9] =	sst s10  }
0x38: {  	s10 =	sld [smem:$0x3FBA]  }
0x39: {  	_ = 	snop;
	(pc) =	sbr.ind lr, $3  }
0x3a: {  	_ = 	snop  }
0x3b: {  	_ = 	snop  }
0x3c: {  	p2 =	seq.s32 s10, $0x1;
	s10 =	sld [smem:$0x3FB9]  }
0x3d: {  	_ =	shalt  }
0x3e: {  	_ =	shalt  }
0x3f: {  	_ =	shalt  }
0x40: {  	_ =	shalt  }
0x41: {  	_ =	shalt  }
0x42: {  	_ =	shalt  }
0x43: {  	_ =	shalt  }
0x44: {  	_ =	shalt  }
0x45: {  	_ =	shalt  }
0x46: {  	_ =	shalt  }
0x47: {  	_ =	shalt  }
0x48: {  	_ =	shalt  }
0x49: {  	_ =	shalt  }
0x4a: {  	_ =	shalt  }
0x4b: {  	_ =	shalt  }
0x4c: {  	_ =	shalt  }
0x4d: {  	_ =	shalt  }
0x4e: {  	_ =	shalt  }
0x4f: {  	_ =	shalt  }
0x50: {  	_ =	shalt  }
0x51: {  	_ =	shalt  }
0x52: {  	_ =	shalt  }
0x53: {  	_ =	shalt  }
0x54: {  	_ =	shalt  }
0x55: {  	_ =	shalt  }
0x56: {  	_ =	shalt  }
0x57: {  	_ =	shalt  }
0x58: {  	_ =	shalt  }
0x59: {  	_ =	shalt  }
0x5a: {  	_ =	shalt  }
0x5b: {  	_ =	shalt  }
0x5c: {  	_ =	shalt  }
0x5d: {  	_ =	shalt  }
0x5e: {  	_ =	shalt  }
0x5f: {  	_ =	shalt  }
0x60: {  	_ =	shalt  }
0x61: {  	_ =	shalt  }
0x62: {  	_ =	shalt  }
0x63: {  	_ =	shalt  }
0x64: {  	_ =	shalt  }
0x65: {  	_ =	shalt  }
0x66: {  	_ =	shalt  }
0x67: {  	_ =	shalt  }
0x68: {  	_ =	shalt  }
0x69: {  	_ =	shalt  }
0x6a: {  	_ =	shalt  }
0x6b: {  	_ =	shalt  }
0x6c: {  	_ =	shalt  }
0x6d: {  	_ =	shalt  }
0x6e: {  	_ =	shalt  }
0x6f: {  	_ =	shalt  }
0x70: {  	_ =	shalt  }
0x71: {  	_ =	shalt  }
0x72: {  	_ =	shalt  }
0x73: {  	_ =	shalt  }
0x74: {  	_ =	shalt  }
0x75: {  	_ =	shalt  }
0x76: {  	_ =	shalt  }
0x77: {  	_ =	shalt  }
0x78: {  	_ =	shalt  }
0x79: {  	_ =	shalt  }
0x7a: {  	_ =	shalt  }
0x7b: {  	_ =	shalt  }
0x7c: {  	_ =	shalt  }
0x7d: {  	_ =	shalt  }
0x7e: {  	_ =	shalt  }
0x7f: {  	_ =	shalt  }
0x80: {  	_ =	shalt  }
0x81: {  	_ =	shalt  }
0x82: {  	_ =	shalt  }
0x83: {  	_ =	shalt  }
0x84: {  	_ =	shalt  }
0x85: {  	_ =	shalt  }
0x86: {  	_ =	shalt  }
0x87: {  	_ =	shalt  }
.Lfunc_end0:
.L_simem_size_0:
called_computation_lowered:
.L_overlay_start_0:
0x88: {  	s2 =	sld [smem:$0x3FD9]  }
0x89: {  	s3 =	sld [smem:$0x3FFE];
	_ =	sdelay $0x1  }
0x8a: {  	s1 =	srdreg.scid  }
0x8b: {  	s0 =	sand.u32 $0x1, s1  }
0x8c: {  	s17 =	sshll.u32 s0, $0xA;
	s2 =	sadd.s32 s3, s2  }
0x8d: {  	s2 =	sadd.s32 s2, s17  }
0x8e: {  	[smem:$0x3FC5] =	sst s2  }
0x8f: {  	_ = 	snop  }
0x90: {  	s2 =	sld [smem:$0x3FC9]  }
0x91: {  	s18 =	sld [smem:$0x3FD0];
	(tm) =	ssettm $0x1  }
0x92: {  	s4 =	sld [smem:$0x3FFB];
	_ =	sdelay $0x3  }
0x93: {  	_ =	strace s4  }
0x94: {  	s4 =	sld [smem:$0x3FFC];
	_ =	sdelay $0x3  }
0x95: {  	_ =	strace s4  }
0x96: {  	s4 =	sld [smem:$0x3FFD];
	_ =	sdelay $0x3  }
0x97: {  	_ =	strace s4  }
0x98: {  	_ =	strace $0x8FFFFFFF  }
0x99: {  	s19 =	sld [smem:$0x3FDB];
	_ =	sdelay $0x1  }
0x9a: {  	s5 =	simm.s32 $_scs_section_size  }
0x9b: {  	s6 =	simm.s32 $_size__tile_overlayer_lowered;
	s7 =	simm.s32 $_tile_overlayer_lowered  }
0x9c: {  	s22 =	simm.s32 $0x1BFF;
	s21 =	sshll.u32 s7, $0x1;
	s4 =	sadd.s32 s5, s19  }
0x9d: {  	s8 =	simm.s32 $0x0;
	s20 =	sshll.u32 s6, $0x1;
	s6 =	sadd.s32 s21, s4  }
0x9e: {  	[timem:s8], [sflag:s22] =	dma.local [hbm:s6], s20  }
0x9f: {  	_ =	swait.ge [sflag:s22], s20  }
0xa0: {  	s5 =	ssub.s32 $0x0, s20;
	[sflag:s22] =	ssyncset.done $0x0  }
0xa1: {  	[sflag:s22] =	ssyncadd.s32 s5;
	_ =	sdelay $0x1  }
0xa2: {  	s23 =	simm.s32 $0x1B8B  }
0xa3: {  	_ =	swait.ge [sflag:s23], $0x1  }
0xa4: {  	[sflag:s23] =	ssyncset.done $0x0  }
0xa5: {  	s25 =	simm.s32 $0x1B8E;
	s24 =	sld [smem:$0x3FFE];
	[sflag:s23] =	ssyncadd.s32 $0xFFFFFFFF  }
0xa6: {  	s26 =	simm.s32 $execute0_lowered;
	[smem:$0x3FD2] =	sst s25  }
0xa7: {  	s6 =	sshll.u32 s26, $0x1;
	_ =	strace $0x80000046;
	[dreg:$0x1] =	wrdreg $0xFFFFFFFF  }
0xa8: {  	s28 =	simm.s32 $_size_execute0_lowered;
	s4 =	sadd.s32 s4, s6;
	[dreg:$0x0] =	wrdreg $0x0  }
0xa9: {  	s6 =	sshll.u32 s28, $0x1;
	[dreg:$0x2] =	wrdreg s4  }
0xaa: {  	[dreg:$0x3] =	wrdreg s6  }
0xab: {  	[dreg:$0x4] =	wrdreg $0xC0  }
0xac: {  	_ =	task [dreg:s8], $0x5FFFF  }
0xad: {  	[dreg:$0x1] =	wrdreg $0xFFFFFFFF  }
0xae: {  	[dreg:$0x0] =	wrdreg $0x60  }
0xaf: {  	[dreg:$0x2] =	wrdreg s2  }
0xb0: {  	[dreg:$0x3] =	wrdreg s24  }
0xb1: {  	[dreg:$0x4] =	wrdreg s18  }
0xb2: {  	[dreg:$0x5] =	wrdreg $0x9  }
0xb3: {  	_ =	task.clear_ibuf [dreg:s8], $0x6FFFF;
	_ =	strace $0x90000046  }
0xb4: {  	s29 =	simm.s32 $0x9;
	_ =	strace $0x80000048  }
0xb5: {  	_ =	swait.ge [sflag:s29], $0x1  }
0xb6: {  	[sflag:s29] =	ssyncadd.s32 $0xFFFFFFFF  }
0xb7: {  	_ =	strace $0x90000048  }
0xb8: {  	_ =	sfence  }
0xb9: {  	s30 =	sld [smem:$0x0];
	_ =	sdelay $0x2  }
0xba: {  	s31 =	sshll.u32 s1, $0xD;
	s1 =	sshrl.u32 s1, $0x2  }
0xbb: {  	s3 =	sand.u32 $0x4000, s31;
	s1 =	sadd.s32 s1, s30  }
0xbc: {  	s0 =	sor.u32 s3, s0;
	s1 =	sshll.u32 s1, $0x11  }
0xbd: {  	s0 =	sor.u32 s1, s0  }
0xbe: {  	s0 =	sadd.s32 $0x8F2B, s0  }
0xbf: {  	[sflag:s0] =	ssyncadd.remote.s32 $0x1  }
0xc0: {  	_ =	sfence.sel $0xFFFF  }
0xc1: {  	[dreg:$0x0] =	wrdreg $0xFFFFFFFF;
	(pc) =	sbr.abs _section_cstart, $3  }
0xc2: {  	[dreg:$0x1] =	wrdreg $0xFFFFFFFF  }
0xc3: {  	_ =	task.clear_ibuf [dreg:s8], $0x2FFFF;
	_ =	strace $0x9FFFFFFF  }
0xc4: {  	(tm) =	ssettm $0x7FFFFFFF  }
0xc5: {  	_ =	shalt  }
tec
execute0_lowered:
.L_overlay_start_1:
0x0: {  	(tag) =	ssettag $0x1  }
0x1: {  	s1 =	rddreg [dreg:$0x0]  }
0x2: {  	s0 =	rddreg [dreg:$0x1]  }
0x3: {  	s4 =	rddreg [dreg:$0x2];
	s3 =	simm.s32 $0x0;
	s5 =	srdreg.scid  }
0x4: {  	s2 =	stileid.u32;
	s28 =	simm.s32 $0x5;
	s29 =	simm.s32 $0x6  }
0x5: {  	s30 =	simm.s32 $0x7;
	s31 =	simm.s32 $0x8;
	[smem:$0x7FF] =	sst s3  }
0x6: {  	s5 =	sand.u32 $0x1, s5;
	s7 =	sshll.u32 s2, $0x7;
	s0 =	sadd.s32 $0x400, s0  }
0x7: {  	_ =	strace $0x80000047;
	s6 =	sshll.u32 s5, $0xB;
	s5 =	ssub.s32 $0x2, s5  }
0x8: {  	[dreg:$0x4] =	wrdreg s0;
	s8 =	sor.u32 s7, s6;
	s0 =	sshrl.u32 s5, $0x1  }
0x9: {  	s9 =	sor.u32 $0x10, s8;
	s11 =	sor.u32 $0x20, s8;
	s14 =	sor.u32 $0x30, s8  }
0xa: {  	s15 =	sor.u32 $0x40, s8;
	s17 =	sor.u32 $0x50, s8;
	s20 =	sor.u32 $0x60, s8  }
0xb: {  	v19 =	vlaneseq.u32;
	s6 =	sshll.u32 s8, $0x5;
	s21 =	sor.u32 $0x70, s8;
	s0 =	ssub.s32 s5, s0  }
0xc: {  	v0 =	vor.u32 s8, v19;
	s8 =	simm.s32 $0x880;
	s6 =	sadd.s32 s4, s6;
	s2 =	sshll.u32 s9, $0x5  }
0xd: {  	s10 =	sshll.u32 s11, $0x5;
	s13 =	sshll.u32 s14, $0x5;
	s18 =	sshll.u32 s15, $0x5  }
0xe: {  	s22 =	sshll.u32 s17, $0x5;
	s24 =	sshll.u32 s20, $0x5;
	s26 =	sshll.u32 s21, $0x5  }
0xf: {  	s5 =	smax.u32 s0, $0x1;
	v1 =	vor.u32 s9, v19;
	s9 =	simm.s32 $0x1080;
	v4 =	vor.u32 s11, v19;
	s11 =	simm.s32 $0x2080  }
0x10: {  	v6 =	vor.u32 s14, v19;
	v7 =	vor.u32 s15, v19;
	s14 =	simm.s32 $0x3880;
	s15 =	simm.s32 $0x4080;
	v10 =	vor.u32 s17, v19;
	s17 =	simm.s32 $0x5080  }
0x11: {  	v12 =	vor.u32 s20, v19;
	v13 =	vor.u32 s21, v19;
	s20 =	simm.s32 $0x6880;
	s21 =	simm.s32 $0x7080;
	s0 =	simm.s32 $0x9  }
0x12: {  	[dreg:$0x5] =	wrdreg s6;
	s7 =	sadd.s32 s4, s2;
	s12 =	sadd.s32 s4, s10  }
0x13: {  	s16 =	sadd.s32 s4, s13;
	s19 =	sadd.s32 s4, s18;
	[dreg:$0x6] =	wrdreg s7  }
0x14: {  	s23 =	sadd.s32 s4, s22;
	s25 =	sadd.s32 s4, s24;
	[dreg:$0x7] =	wrdreg s12  }
0x15: {  	s4 =	sadd.s32 s4, s26;
	s6 =	simm.s32 $0xA;
	[dreg:$0x8] =	wrdreg s16  }
0x16: {  	v16 =	vimm.s32 $0x0;
	vm0 =	vmmov $0xffff;
	s10 =	simm.s32 $0x1880;
	s13 =	simm.s32 $0x3080;
	[dreg:$0x9] =	wrdreg s19  }
0x17: {  	v17 =	vand.u32 $0x7, v19;
	v2 =	vcvt.s32.f32 v0;
	v3 =	vcvt.s32.f32 v1;
	s18 =	simm.s32 $0x5880;
	s22 =	simm.s32 $0x7880;
	[dreg:$0xa] =	wrdreg s23  }
0x18: {  	v18 =	vshrl.u32 v19, $0x3;
	v5 =	vcvt.s32.f32 v4;
	v8 =	vcvt.s32.f32 v6;
	s24 =	simm.s32 $0x2;
	s26 =	simm.s32 $0x4;
	[dreg:$0xb] =	wrdreg s25  }
0x19: {  	v18 =	vmul.u32 $0x8, v18;
	v9 =	vcvt.s32.f32 v7;
	v11 =	vcvt.s32.f32 v10;
	s7 =	simm.s32 $0x80;
	s12 =	simm.s32 $0x2880;
	s16 =	simm.s32 $0x4880  }
0x1a: {  	v19 =	vor.u32 $0x8, v19;
	v14 =	vcvt.s32.f32 v12;
	v15 =	vcvt.s32.f32 v13;
	s19 =	simm.s32 $0x6080;
	s23 =	simm.s32 $0x1;
	s25 =	simm.s32 $0x3  }
.LBB2_1:
0x1b: {  	s2 =	rddreg [dreg:$0x4]  }
0x1c: {  	[tilespmem:s3], [sflag:$0xA] =	stream.linear.gather [hbm4b:s2+s3], $0x80, $0x38;
	[tilespmem:$0x8080] =	vst v63  }
0x1d: {  	_ =	swait.ge [sflag:s6], $0x80  }
0x1e: {  	[sflag:s6] =	ssyncset.done $0x0  }
0x1f: {  	[sflag:s6] =	ssyncadd.s32 $0xFFFFFF80  }
0x20: {  	v23 =	vld [tilespmem:$0x20];
	_ =	sdelay $0x1  }
0x21: {  	v20 =	vld [tilespmem:$0x0];
	_ =	sdelay $0x2  }
0x22: {  	v21 =	vmul.f32 v2, v23;
	_ =	sdelay $0x1  }
0x23: {  	v20 =	vtrunc.f32 v20;
	v21 =	vtrunc.f32 v21  }
0x24: {  	v22 =	vcvt.f32.s32 v20;
	v20 =	vcvt.f32.s32 v21;
	_ =	sdelay $0x1  }
0x25: {  	v21 =	vmul.u32 v22, v20;
	_ =	sdelay $0x1  }
0x26: {  	vm1 =	vgt.s32 v21, v0  }
0x27: {  	v21 =	vsel vm1, $0xFFFFFFFF, v16  }
0x28: {  	v20 =	vadd.s32 v20, v21  }
0x29: {  	v21 =	vmul.u32 v22, v20;
	_ =	sdelay $0x1  }
0x2a: {  	v21 =	vsub.s32 v0, v21  }
0x2b: {  	vm1 =	vge.s32 v21, v22  }
0x2c: {  	v21 =	vsel vm1, $0x1, v16  }
0x2d: {  	v20 =	vadd.s32 v21, v20  }
0x2e: {  	v24 =	vmul.f32 v3, v23;
	v21 =	vld [tilespmem:$0x30];
	v20 =	vmul.u32 v22, v20;
	_ =	sdelay $0x1  }
0x2f: {  	v25 =	vld [tilespmem:$0x10];
	v26 =	vsub.s32 v0, v20;
	v20 =	vtrunc.f32 v24  }
0x30: {  	v58 =	vcvt.s32.f32 v26;
	v27 =	vcvt.f32.s32 v20;
	_ =	sdelay $0x1  }
0x31: {  	v20 =	vmul.f32 v58, v21;
	v59 =	vmul.u32 v22, v27;
	_ =	sdelay $0x1  }
0x32: {  	v25 =	vtrunc.f32 v25;
	v28 =	vtrunc.f32 v20;
	vm1 =	vgt.s32 v59, v1  }
0x33: {  	v20 =	vcvt.f32.s32 v25;
	v60 =	vcvt.f32.s32 v28;
	v61 =	vsel vm1, $0xFFFFFFFF, v16  }
0x34: {  	v25 =	vadd.s32 v27, v61  }
0x35: {  	v62 =	vmul.u32 v20, v60;
	v63 =	vmul.u32 v22, v25;
	_ =	sdelay $0x1  }
0x36: {  	v34 =	vmul.f32 v5, v23;
	vm1 =	vgt.s32 v62, v26;
	v32 =	vsub.s32 v1, v63  }
0x37: {  	v31 =	vmul.f32 v8, v23;
	v33 =	vsel vm1, $0xFFFFFFFF, v16;
	vm1 =	vge.s32 v32, v22  }
0x38: {  	v35 =	vtrunc.f32 v34;
	v24 =	vadd.s32 v60, v33;
	v27 =	vsel vm1, $0x1, v16  }
0x39: {  	v29 =	vmul.u32 v20, v24;
	v25 =	vadd.s32 v27, v25;
	v27 =	vcvt.f32.s32 v35  }
0x3a: {  	v48 =	vmul.f32 v9, v23;
	v25 =	vmul.u32 v22, v25  }
0x3b: {  	v41 =	vtrunc.f32 v31;
	v36 =	vsub.s32 v26, v29;
	v30 =	vmul.u32 v22, v27  }
0x3c: {  	v43 =	vcvt.f32.s32 v41;
	vm1 =	vge.s32 v36, v20;
	v25 =	vsub.s32 v1, v25  }
0x3d: {  	v28 =	vsel vm1, $0x1, v16;
	v37 =	vcvt.s32.f32 v25;
	vm1 =	vgt.s32 v30, v4  }
0x3e: {  	v62 =	vmul.f32 v11, v23;
	v24 =	vadd.s32 v28, v24;
	v30 =	vsel vm1, $0xFFFFFFFF, v16  }
0x3f: {  	v28 =	vmul.u32 v20, v24;
	v29 =	vmul.f32 v37, v21;
	v27 =	vadd.s32 v27, v30  }
0x40: {  	v32 =	vmul.u32 v22, v43;
	vm1 =	vgt.s32 v24, $0x0;
	v39 =	vmul.u32 v22, v27  }
0x41: {  	v24 =	vnsel vm1, $0x0, v24;
	v26 =	vsub.s32 v26, v28;
	v38 =	vtrunc.f32 v29  }
0x42: {  	v28 =	vcvt.f32.s32 v38;
	vm1 =	vgt.s32 v26, $0x0;
	v29 =	vsub.s32 v4, v39  }
0x43: {  	v24 =	vmin.u32 v24, $0x3F;
	v26 =	vnsel vm1, $0x0, v26;
	vm1 =	vge.s32 v29, v22  }
0x44: {  	v40 =	vmul.u32 v20, v28;
	v29 =	vsel vm1, $0x1, v16;
	v26 =	vmin.u32 v26, $0x3F  }
0x45: {  	v24 =	vshll.u32 v24, $0x7;
	v27 =	vadd.s32 v29, v27;
	v44 =	vand.u32 $0x7, v26  }
0x46: {  	v26 =	vshll.u32 v26, $0x1;
	vm1 =	vgt.s32 v40, v25;
	v27 =	vmul.u32 v22, v27  }
0x47: {  	v26 =	vand.u32 $0x70, v26;
	v42 =	vsel vm1, $0xFFFFFFFF, v16;
	vm1 =	vgt.s32 v32, v6  }
0x48: {  	v24 =	vor.u32 v24, v26;
	v28 =	vadd.s32 v28, v42;
	v27 =	vsub.s32 v4, v27  }
0x49: {  	v32 =	vsel vm1, $0xFFFFFFFF, v16;
	v31 =	vmul.u32 v20, v28;
	v33 =	vcvt.s32.f32 v27  }
0x4a: {  	v29 =	vadd.s32 v43, v32;
	v43 =	vmul.f32 v14, v23;
	v23 =	vmul.f32 v15, v23  }
0x4b: {  	v24 =	vor.u32 v44, v24;
	v31 =	vsub.s32 v25, v31  }
0x4c: {  	v33 =	vmul.f32 v33, v21;
	v23 =	vtrunc.f32 v23;
	vm1 =	vge.s32 v31, v20  }
0x4d: {  	v46 =	vmul.u32 v22, v29;
	v23 =	vcvt.f32.s32 v23;
	v31 =	vsel vm1, $0x1, v16  }
0x4e: {  	v47 =	vtrunc.f32 v33;
	v33 =	vtrunc.f32 v48;
	v45 =	vadd.s32 v31, v28  }
0x4f: {  	v32 =	vcvt.f32.s32 v47;
	v51 =	vcvt.f32.s32 v33;
	vm1 =	vgt.s32 v45, $0x0  }
0x50: {  	v28 =	vsub.s32 v6, v46;
	v31 =	vmul.u32 v20, v45;
	v26 =	vnsel vm1, $0x0, v45  }
0x51: {  	vm1 =	vge.s32 v28, v22;
	v49 =	vmul.u32 v20, v32;
	v54 =	vmul.u32 v22, v51  }
0x52: {  	v25 =	vsub.s32 v25, v31;
	v50 =	vsel vm1, $0x1, v16;
	v26 =	vmin.u32 v26, $0x3F  }
0x53: {  	vm1 =	vgt.s32 v25, $0x0;
	v29 =	vadd.s32 v50, v29;
	v26 =	vshll.u32 v26, $0x7  }
0x54: {  	v25 =	vnsel vm1, $0x0, v25;
	vm1 =	vgt.s32 v49, v27;
	v52 =	vmul.u32 v22, v29  }
0x55: {  	v53 =	vsel vm1, $0xFFFFFFFF, v16;
	v25 =	vmin.u32 v25, $0x3F;
	vm1 =	vgt.s32 v54, v7  }
0x56: {  	v29 =	vadd.s32 v32, v53;
	v28 =	vsub.s32 v6, v52;
	v34 =	vsel vm1, $0xFFFFFFFF, v16  }
0x57: {  	v32 =	vmul.u32 v20, v29;
	v55 =	vcvt.s32.f32 v28;
	v31 =	vadd.s32 v51, v34  }
0x58: {  	v56 =	vand.u32 $0x7, v25;
	v25 =	vshll.u32 v25, $0x1;
	v57 =	vmul.u32 v22, v31  }
0x59: {  	v25 =	vand.u32 $0x70, v25;
	v32 =	vsub.s32 v27, v32;
	v33 =	vmul.f32 v55, v21  }
0x5a: {  	v51 =	vmul.u32 v22, v23;
	vm1 =	vge.s32 v32, v20;
	v32 =	vsub.s32 v7, v57  }
0x5b: {  	v58 =	vsel vm1, $0x1, v16;
	v33 =	vtrunc.f32 v33;
	vm1 =	vge.s32 v32, v22  }
0x5c: {  	v29 =	vadd.s32 v58, v29;
	v33 =	vcvt.f32.s32 v33;
	v32 =	vsel vm1, $0x1, v16  }
0x5d: {  	v25 =	vor.u32 v26, v25;
	v34 =	vmul.u32 v20, v29;
	v31 =	vadd.s32 v32, v31  }
0x5e: {  	vm1 =	vgt.s32 v29, $0x0;
	v59 =	vmul.u32 v20, v33;
	v60 =	vmul.u32 v22, v31  }
0x5f: {  	v29 =	vnsel vm1, $0x0, v29;
	v31 =	vtrunc.f32 v62;
	v27 =	vsub.s32 v27, v34  }
0x60: {  	v29 =	vmin.u32 v29, $0x3F;
	vm1 =	vgt.s32 v59, v28;
	v26 =	vsub.s32 v7, v60  }
0x61: {  	v61 =	vsel vm1, $0xFFFFFFFF, v16;
	vm1 =	vgt.s32 v27, $0x0;
	v36 =	vcvt.s32.f32 v26  }
0x62: {  	v31 =	vcvt.f32.s32 v31;
	v30 =	vadd.s32 v33, v61;
	v27 =	vnsel vm1, $0x0, v27  }
0x63: {  	v63 =	vmul.u32 v20, v30;
	v27 =	vmin.u32 v27, $0x3F;
	v33 =	vmul.f32 v36, v21  }
0x64: {  	v29 =	vshll.u32 v29, $0x7;
	v35 =	vmul.u32 v22, v31;
	v37 =	vand.u32 $0x7, v27  }
0x65: {  	v27 =	vshll.u32 v27, $0x1;
	v32 =	vsub.s32 v28, v63;
	v33 =	vtrunc.f32 v33  }
0x66: {  	v27 =	vand.u32 $0x70, v27;
	v63 =	vperm.xlane v24, v17;
	vm1 =	vge.s32 v32, v20  }
0x67: {  	v38 =	vcvt.f32.s32 v33;
	v32 =	vsel vm1, $0x1, v16;
	vm1 =	vgt.s32 v35, v10  }
0x68: {  	v24 =	vperm.xlane v24, v19;
	v30 =	vadd.s32 v32, v30;
	v35 =	vsel vm1, $0xFFFFFFFF, v16  }
0x69: {  	v40 =	vmul.u32 v20, v38;
	v39 =	vmul.u32 v20, v30;
	v31 =	vadd.s32 v31, v35  }
0x6a: {  	v27 =	vor.u32 v29, v27;
	vm1 =	vgt.s32 v30, $0x0;
	v41 =	vmul.u32 v22, v31  }
0x6b: {  	v30 =	vnsel vm1, $0x0, v30;
	vm1 =	vgt.s32 v40, v26;
	v28 =	vsub.s32 v28, v39  }
0x6c: {  	v42 =	vsel vm1, $0xFFFFFFFF, v16;
	vm1 =	vgt.s32 v28, $0x0;
	v29 =	vsub.s32 v10, v41  }
0x6d: {  	v25 =	vor.u32 v56, v25;
	v28 =	vnsel vm1, $0x0, v28;
	vm1 =	vge.s32 v29, v22  }
0x6e: {  	v27 =	vor.u32 v37, v27;
	v24 =	vadd.s32 v18, v24;
	v44 =	vsel vm1, $0x1, v16  }
0x6f: {  	v30 =	vmin.u32 v30, $0x3F;
	v32 =	vadd.s32 v38, v42;
	v31 =	vadd.s32 v44, v31  }
0x70: {  	v33 =	vmul.u32 v20, v32;
	v29 =	vtrunc.f32 v43;
	v31 =	vmul.u32 v22, v31  }
0x71: {  	v30 =	vshll.u32 v30, $0x7;
	v38 =	vperm.xlane v25, v17;
	v29 =	vcvt.f32.s32 v29  }
0x72: {  	v28 =	vmin.u32 v28, $0x3F;
	v33 =	vsub.s32 v26, v33;
	v31 =	vsub.s32 v10, v31  }
0x73: {  	v45 =	vshll.u32 v28, $0x1;
	v47 =	vmul.u32 v22, v29;
	v36 =	vcvt.s32.f32 v31  }
0x74: {  	v25 =	vperm.xlane v25, v19;
	vm1 =	vge.s32 v33, v20;
	v33 =	vand.u32 $0x70, v45  }
0x75: {  	v46 =	vsel vm1, $0x1, v16;
	vm1 =	vgt.s32 v47, v12;
	v49 =	vmul.f32 v36, v21  }
0x76: {  	v30 =	vor.u32 v30, v33;
	v32 =	vadd.s32 v46, v32;
	v34 =	vsel vm1, $0xFFFFFFFF, v16  }
0x77: {  	v48 =	vmul.u32 v20, v32;
	v29 =	vadd.s32 v29, v34;
	v33 =	vtrunc.f32 v49  }
0x78: {  	vm1 =	vgt.s32 v32, $0x0;
	v34 =	vmul.u32 v22, v29;
	v33 =	vcvt.f32.s32 v33  }
0x79: {  	v42 =	vperm.xlane v27, v17;
	v32 =	vnsel vm1, $0x0, v32;
	v26 =	vsub.s32 v26, v48  }
0x7a: {  	vm1 =	vgt.s32 v26, $0x0;
	v34 =	vsub.s32 v12, v34;
	v50 =	vmul.u32 v20, v33  }
0x7b: {  	v27 =	vperm.xlane v27, v19;
	v26 =	vnsel vm1, $0x0, v26;
	vm1 =	vge.s32 v34, v22  }
0x7c: {  	v35 =	vadd.s32 v18, v38;
	v34 =	vsel vm1, $0x1, v16;
	vm1 =	vgt.s32 v50, v31  }
0x7d: {  	v28 =	vand.u32 $0x7, v28;
	v52 =	vsel vm1, $0xFFFFFFFF, v16;
	vm1 =	vgt.s32 v51, v13  }
0x7e: {  	v29 =	vadd.s32 v34, v29;
	v33 =	vadd.s32 v33, v52;
	v54 =	vsel vm1, $0xFFFFFFFF, v16  }
0x7f: {  	v29 =	vmul.u32 v22, v29;
	v55 =	vmul.u32 v20, v33;
	v23 =	vadd.s32 v23, v54  }
0x80: {  	v25 =	vadd.s32 v18, v25;
	v28 =	vor.u32 v28, v30;
	v37 =	vmul.u32 v22, v23  }
0x81: {  	v32 =	vmin.u32 v32, $0x3F;
	v29 =	vsub.s32 v12, v29;
	v59 =	vsub.s32 v31, v55  }
0x82: {  	v57 =	vcvt.s32.f32 v29;
	vm1 =	vge.s32 v59, v20;
	v61 =	vsub.s32 v13, v37  }
0x83: {  	v26 =	vmin.u32 v26, $0x3F;
	v62 =	vsel vm1, $0x1, v16;
	vm1 =	vge.s32 v61, v22  }
0x84: {  	v53 =	vshll.u32 v26, $0x1;
	v60 =	vmul.f32 v57, v21;
	v37 =	vsel vm1, $0x1, v16  }
0x85: {  	v32 =	vshll.u32 v32, $0x7;
	v56 =	vand.u32 $0x70, v53;
	v23 =	vadd.s32 v37, v23  }
0x86: {  	v58 =	vor.u32 v32, v56;
	v32 =	vtrunc.f32 v60;
	v22 =	vmul.u32 v22, v23  }
0x87: {  	v46 =	vadd.s32 v18, v27;
	v26 =	vand.u32 $0x7, v26;
	v36 =	vcvt.f32.s32 v32  }
0x88: {  	v34 =	vadd.s32 v18, v63;
	v26 =	vor.u32 v26, v58;
	v22 =	vsub.s32 v13, v22  }
0x89: {  	v33 =	vadd.s32 v62, v33;
	v40 =	vmul.u32 v20, v36;
	v41 =	vcvt.s32.f32 v22  }
0x8a: {  	v50 =	vperm.xlane v28, v17;
	v28 =	vperm.xlane v28, v19;
	v39 =	vmul.u32 v20, v33  }
0x8b: {  	v52 =	vperm.xlane v26, v17;
	vm1 =	vgt.s32 v40, v29;
	v21 =	vmul.f32 v41, v21  }
0x8c: {  	v26 =	vperm.xlane v26, v19;
	v31 =	vsub.s32 v31, v39;
	v23 =	vsel vm1, $0xFFFFFFFF, v16  }
0x8d: {  	vm1 =	vgt.s32 v33, $0x0;
	v23 =	vadd.s32 v36, v23;
	v21 =	vtrunc.f32 v21  }
0x8e: {  	v33 =	vnsel vm1, $0x0, v33;
	v30 =	vmul.u32 v20, v23;
	v21 =	vcvt.f32.s32 v21  }
0x8f: {  	v32 =	vadd.s32 v18, v42;
	vm1 =	vgt.s32 v31, $0x0;
	v33 =	vmin.u32 v33, $0x3F  }
0x90: {  	[tilespmem:s7], [sflag:$0x1] =	stream.indirect_vreg.gather [hbm4b:s1+s3], $0x80, v34, vm0, $0xb8;
	v31 =	vnsel vm1, $0x0, v31;
	v30 =	vsub.s32 v29, v30;
	v45 =	vmul.u32 v20, v21;
	[tilespmem:$0x8080] =	vst v63  }
0x91: {  	v31 =	vmin.u32 v31, $0x3F;
	v33 =	vshll.u32 v33, $0x7;
	vm1 =	vge.s32 v30, v20  }
0x92: {  	[tilespmem:s8], [sflag:$0x1] =	stream.indirect_vreg.gather [hbm4b:s1+s3], $0x80, v24, vm0, $0xb8;
	v43 =	vshll.u32 v31, $0x1;
	v44 =	vsel vm1, $0x1, v16;
	vm1 =	vgt.s32 v45, v22;
	[tilespmem:$0x8080] =	vst v63  }
0x93: {  	v47 =	vand.u32 $0x7, v31;
	v23 =	vadd.s32 v44, v23;
	v49 =	vsel vm1, $0xFFFFFFFF, v16  }
0x94: {  	[tilespmem:s9], [sflag:$0x2] =	stream.indirect_vreg.gather [hbm4b:s1+s3], $0x80, v35, vm0, $0xb8;
	v30 =	vand.u32 $0x70, v43;
	v48 =	vmul.u32 v20, v23;
	v21 =	vadd.s32 v21, v49;
	[tilespmem:$0x8080] =	vst v63  }
0x95: {  	v31 =	vadd.s32 v18, v50;
	v30 =	vor.u32 v33, v30;
	v51 =	vmul.u32 v20, v21  }
0x96: {  	[tilespmem:s10], [sflag:$0x2] =	stream.indirect_vreg.gather [hbm4b:s1+s3], $0x80, v25, vm0, $0xb8;
	v27 =	vor.u32 v47, v30;
	v29 =	vsub.s32 v29, v48;
	vm1 =	vgt.s32 v23, $0x0;
	[tilespmem:$0x8080] =	vst v63  }
0x97: {  	v23 =	vnsel vm1, $0x0, v23;
	vm1 =	vgt.s32 v29, $0x0;
	v30 =	vsub.s32 v22, v51  }
0x98: {  	v28 =	vadd.s32 v18, v28;
	[tilespmem:s11], [sflag:$0x3] =	stream.indirect_vreg.gather [hbm4b:s1+s3], $0x80, v32, vm0, $0xb8;
	v29 =	vnsel vm1, $0x0, v29;
	vm1 =	vge.s32 v30, v20;
	[tilespmem:$0x8080] =	vst v63  }
0x99: {  	v55 =	vadd.s32 v18, v26;
	v25 =	vadd.s32 v18, v52;
	v30 =	vsel vm1, $0x1, v16  }
0x9a: {  	[tilespmem:s12], [sflag:$0x3] =	stream.indirect_vreg.gather [hbm4b:s1+s3], $0x80, v46, vm0, $0xb8;
	v57 =	vperm.xlane v27, v19;
	v21 =	vadd.s32 v30, v21;
	[tilespmem:$0x8080] =	vst v63  }
0x9b: {  	v54 =	vperm.xlane v27, v17;
	v29 =	vmin.u32 v29, $0x3F;
	v20 =	vmul.u32 v20, v21  }
0x9c: {  	[tilespmem:s13], [sflag:$0x4] =	stream.indirect_vreg.gather [hbm4b:s1+s3], $0x80, v31, vm0, $0xb8;
	v26 =	vadd.s32 v18, v57;
	v23 =	vmin.u32 v23, $0x3F;
	v53 =	vshll.u32 v29, $0x1;
	[tilespmem:$0x8080] =	vst v63  }
0x9d: {  	v23 =	vshll.u32 v23, $0x7;
	v24 =	vand.u32 $0x70, v53;
	v20 =	vsub.s32 v22, v20  }
0x9e: {  	[tilespmem:s14], [sflag:$0x4] =	stream.indirect_vreg.gather [hbm4b:s1+s3], $0x80, v28, vm0, $0xb8;
	v56 =	vand.u32 $0x7, v29;
	v23 =	vor.u32 v23, v24;
	vm1 =	vgt.s32 v20, $0x0;
	[tilespmem:$0x8080] =	vst v63  }
0x9f: {  	v24 =	vadd.s32 v18, v54;
	v20 =	vnsel vm1, $0x0, v20;
	vm1 =	vgt.s32 v21, $0x0  }
0xa0: {  	[tilespmem:s15], [sflag:$0x5] =	stream.indirect_vreg.gather [hbm4b:s1+s3], $0x80, v25, vm0, $0xb8;
	v23 =	vor.u32 v56, v23;
	v21 =	vnsel vm1, $0x0, v21;
	v20 =	vmin.u32 v20, $0x3F;
	[tilespmem:$0x8080] =	vst v63  }
0xa1: {  	v58 =	vperm.xlane v23, v17;
	v21 =	vmin.u32 v21, $0x3F;
	v59 =	vshll.u32 v20, $0x1  }
0xa2: {  	[tilespmem:s16], [sflag:$0x5] =	stream.indirect_vreg.gather [hbm4b:s1+s3], $0x80, v55, vm0, $0xb8;
	v23 =	vperm.xlane v23, v19;
	v21 =	vshll.u32 v21, $0x7;
	v61 =	vand.u32 $0x70, v59;
	[tilespmem:$0x8080] =	vst v63  }
0xa3: {  	v60 =	vadd.s32 v18, v58;
	v20 =	vand.u32 $0x7, v20;
	v21 =	vor.u32 v21, v61  }
0xa4: {  	[tilespmem:s17], [sflag:$0x6] =	stream.indirect_vreg.gather [hbm4b:s1+s3], $0x80, v24, vm0, $0xb8;
	v20 =	vor.u32 v20, v21;
	[tilespmem:$0x8080] =	vst v63  }
0xa5: {  	v62 =	vadd.s32 v18, v23;
	v63 =	vperm.xlane v20, v17  }
0xa6: {  	[tilespmem:s18], [sflag:$0x6] =	stream.indirect_vreg.gather [hbm4b:s1+s3], $0x80, v26, vm0, $0xb8;
	[tilespmem:$0x8080] =	vst v63  }
0xa7: {  	v20 =	vperm.xlane v20, v19;
	v23 =	vadd.s32 v18, v63  }
0xa8: {  	[tilespmem:s19], [sflag:$0x7] =	stream.indirect_vreg.gather [hbm4b:s1+s3], $0x80, v60, vm0, $0xb8;
	[tilespmem:$0x8080] =	vst v63  }
0xa9: {  	v20 =	vadd.s32 v18, v20  }
0xaa: {  	[tilespmem:s20], [sflag:$0x7] =	stream.indirect_vreg.gather [hbm4b:s1+s3], $0x80, v62, vm0, $0xb8;
	[tilespmem:$0x8080] =	vst v63  }
0xab: {  	_ = 	snop  }
0xac: {  	[tilespmem:s21], [sflag:$0x8] =	stream.indirect_vreg.gather [hbm4b:s1+s3], $0x80, v23, vm0, $0xb8;
	[tilespmem:$0x8080] =	vst v63  }
0xad: {  	_ = 	snop  }
0xae: {  	[tilespmem:s22], [sflag:$0x8] =	stream.indirect_vreg.gather [hbm4b:s1+s3], $0x80, v20, vm0, $0xb8;
	[tilespmem:$0x8080] =	vst v63  }
0xaf: {  	_ =	swait.ge [sflag:s23], $0x1000  }
0xb0: {  	[sflag:s23] =	ssyncset.done $0x0  }
0xb1: {  	s2 =	rddreg [dreg:$0x5];
	[sflag:s23] =	ssyncadd.s32 $0xFFFFF000  }
0xb2: {  	[hbm4b:s2+s3] =	stream.linear.scatter [tilespmem:s7], [sflag:$0x9], $0x1000, $0x38;
	[tilespmem:$0x8080] =	vst v63  }
0xb3: {  	_ =	swait.ge [sflag:s24], $0x1000  }
0xb4: {  	[sflag:s24] =	ssyncset.done $0x0  }
0xb5: {  	s2 =	rddreg [dreg:$0x6];
	[sflag:s24] =	ssyncadd.s32 $0xFFFFF000  }
0xb6: {  	[hbm4b:s2+s3] =	stream.linear.scatter [tilespmem:s9], [sflag:$0x9], $0x1000, $0x38;
	[tilespmem:$0x8080] =	vst v63  }
0xb7: {  	_ =	swait.ge [sflag:s25], $0x1000  }
0xb8: {  	[sflag:s25] =	ssyncset.done $0x0  }
0xb9: {  	s2 =	rddreg [dreg:$0x7];
	[sflag:s25] =	ssyncadd.s32 $0xFFFFF000  }
0xba: {  	[hbm4b:s2+s3] =	stream.linear.scatter [tilespmem:s11], [sflag:$0x9], $0x1000, $0x38;
	[tilespmem:$0x8080] =	vst v63  }
0xbb: {  	_ =	swait.ge [sflag:s26], $0x1000  }
0xbc: {  	[sflag:s26] =	ssyncset.done $0x0  }
0xbd: {  	s2 =	rddreg [dreg:$0x8];
	[sflag:s26] =	ssyncadd.s32 $0xFFFFF000  }
0xbe: {  	[hbm4b:s2+s3] =	stream.linear.scatter [tilespmem:s13], [sflag:$0x9], $0x1000, $0x38;
	[tilespmem:$0x8080] =	vst v63  }
0xbf: {  	_ =	swait.ge [sflag:s28], $0x1000  }
0xc0: {  	[sflag:s28] =	ssyncset.done $0x0  }
0xc1: {  	s2 =	rddreg [dreg:$0x9];
	[sflag:s28] =	ssyncadd.s32 $0xFFFFF000  }
0xc2: {  	[hbm4b:s2+s3] =	stream.linear.scatter [tilespmem:s15], [sflag:$0x9], $0x1000, $0x38;
	[tilespmem:$0x8080] =	vst v63  }
0xc3: {  	_ =	swait.ge [sflag:s29], $0x1000  }
0xc4: {  	[sflag:s29] =	ssyncset.done $0x0  }
0xc5: {  	s2 =	rddreg [dreg:$0xa];
	[sflag:s29] =	ssyncadd.s32 $0xFFFFF000  }
0xc6: {  	[hbm4b:s2+s3] =	stream.linear.scatter [tilespmem:s17], [sflag:$0x9], $0x1000, $0x38;
	[tilespmem:$0x8080] =	vst v63  }
0xc7: {  	_ =	swait.ge [sflag:s30], $0x1000  }
0xc8: {  	[sflag:s30] =	ssyncset.done $0x0  }
0xc9: {  	s2 =	rddreg [dreg:$0xb];
	[sflag:s30] =	ssyncadd.s32 $0xFFFFF000  }
0xca: {  	[hbm4b:s2+s3] =	stream.linear.scatter [tilespmem:s19], [sflag:$0x9], $0x1000, $0x38;
	[tilespmem:$0x8080] =	vst v63  }
0xcb: {  	_ =	swait.ge [sflag:s31], $0x1000  }
0xcc: {  	p0 =	sne.s32 s5, $0x1;
	[sflag:s31] =	ssyncset.done $0x0  }
.Ltmp0:
0xcd: {  	[sflag:s31] =	ssyncadd.s32 $0xFFFFF000;
	(pc) =	sbr.rel @p0 .LBB2_1-.Ltmp0, $4  }
0xce: {  	[hbm4b:s4+s3] =	stream.linear.scatter [tilespmem:s21], [sflag:$0x9], $0x1000, $0x38;
	[tilespmem:$0x8080] =	vst v63  }
0xcf: {  	_ =	swait.ge [sflag:s0], $0x8000  }
0xd0: {  	[sflag:s0] =	ssyncset.done $0x0  }
0xd1: {  	s5 =	sadd.s32 $0xFFFFFFFF, s5;
	[sflag:s0] =	ssyncadd.s32 $0xFFFF8000  }
0xd2: {  	_ =	sfence.sel $0x180000  }
0xd3: {  	[bflag:$0x0] =	sbarrier.arrive $0xFFFF  }
0xd4: {  	_ =	strace $0x90000047  }
0xd5: {  	s0 =	stileid.u32;
	[bflag:$0x2] =	sbarrier.arrive $0xFFFF  }
0xd6: {  	p0 =	sne.s32 s0, $0x0;
	s0 =	rddreg [dreg:$0x3]  }
0xd7: {  	s0 =	sadd.s32 @!p0 $0x100000, s0  }
0xd8: {  	[sflag:s0] =	ssyncadd.tile.s32 @!p0 $0x1;
	_ =	shalt  }
.Lfunc_end2:
_tile_overlayer_lowered:
.L_overlay_start_2:
0xd9: {  	(tag) =	ssettag $0x2  }
0xda: {  	s0 =	rddreg [dreg:$0x0];
	s2 =	stileid.u32  }
0xdb: {  	s1 =	rddreg [dreg:$0x1];
	p0 =	sne.s32 s2, $0x0  }
0xdc: {  	s3 =	rddreg [dreg:$0x2];
	[bflag:$0x3] =	sbarrier.arrive $0xFFFF;
	s2 =	simm.s32 @!p0 $0x1C0A  }
0xdd: {  	[timem:s3], [sflag:s2] =	dma.local @!p0 [hbm:s0], s1  }
0xde: {  	s0 =	simm.s32 @!p0 $0xA  }
0xdf: {  	_ =	swait.ge @!p0 [sflag:s0], s1  }
0xe0: {  	s1 =	ssub.s32 @!p0 $0x0, s1;
	[sflag:s0] =	ssyncset.done @!p0 $0x0  }
0xe1: {  	[sflag:s0] =	ssyncadd.s32 @!p0 s1  }
0xe2: {  	[bflag:$0x3] =	sbarrier.arrive $0xFFFF  }
0xe3: {  	_ =	shalt  }

</sc_bundles>
